<compile_context>
chip_gen: v7x
topology: tpu7x:2x2x1
jax: 0.10.2.dev20260603
libtpu: 0.0.44.dev20260713+nightly
codegen_flags: <defaults>
</compile_context>

<pallas_src>
import functools
import jax
import jax.numpy as jnp
from jax import lax
from jax.experimental import pallas as pl
from jax.experimental.pallas import tpu as pltpu
from jax.experimental.pallas import tpu_sc as plsc

_N = 10000
_E = 320000
_D = 128
_H = 128
_DE = 16
_STEP = 1.0 / 4.0
_TW = 144
_NC = 2
_NS = 16
_NW = _NC * _NS
_EPW = _E // _NW
_CH = 80
_NCHUNK = _EPW // _CH
_BN = 512
_BE = 2560
_NROWS_PER_SUB = _N // _NS


def _silu(x):
    return x * jax.nn.sigmoid(x)


def _prep_body(h_ref, cp_ref, WaT_ref, WbT_ref, be1_ref, ta_ref, tb_ref):
    h = h_ref[...]
    ta_ref[:, :_D] = jnp.dot(h, WaT_ref[...], preferred_element_type=jnp.float32) + be1_ref[...]
    ta_ref[:, _D:] = cp_ref[...]
    tb_ref[:, :_D] = jnp.dot(h, WbT_ref[...], preferred_element_type=jnp.float32)
    tb_ref[:, _D:] = cp_ref[...]


def _prep_call(h, coordp, WaT, WbT, be1r):
    nblk = pl.cdiv(_N, _BN)
    return pl.pallas_call(
        _prep_body,
        grid=(nblk,),
        in_specs=[
            pl.BlockSpec((_BN, _D), lambda i: (i, 0)),
            pl.BlockSpec((_BN, _TW - _D), lambda i: (i, 0)),
            pl.BlockSpec((_D, _D), lambda i: (0, 0)),
            pl.BlockSpec((_D, _D), lambda i: (0, 0)),
            pl.BlockSpec((1, _D), lambda i: (0, 0)),
        ],
        out_specs=[
            pl.BlockSpec((_BN, _TW), lambda i: (i, 0)),
            pl.BlockSpec((_BN, _TW), lambda i: (i, 0)),
        ],
        out_shape=[
            jax.ShapeDtypeStruct((_N, _TW), jnp.float32),
            jax.ShapeDtypeStruct((_N, _TW), jnp.float32),
        ],
    )(h, coordp, WaT, WbT, be1r)


def _gather_body(ei_hbm, ta_hbm, tb_hbm, ga_hbm, gb_hbm,
                 idxr_v, idxc_v, bufa_v, bufb_v, sema, semb):
    cid = lax.axis_index("c")
    sid = lax.axis_index("s")
    wid = cid * _NS + sid
    base = wid * _EPW

    pltpu.sync_copy(ei_hbm.at[0, pl.ds(base, _EPW)], idxr_v)
    pltpu.sync_copy(ei_hbm.at[1, pl.ds(base, _EPW)], idxc_v)

    def start(k, b):
        o = k * _CH
        pltpu.async_copy(ta_hbm.at[idxr_v.at[pl.ds(o, _CH)]], bufa_v.at[b],
                         sema.at[b])
        pltpu.async_copy(tb_hbm.at[idxc_v.at[pl.ds(o, _CH)]], bufb_v.at[b],
                         semb.at[b])

    def finish(k, b):
        o = k * _CH
        pltpu.make_async_copy(ta_hbm.at[idxr_v.at[pl.ds(o, _CH)]],
                              bufa_v.at[b], sema.at[b]).wait()
        pltpu.make_async_copy(tb_hbm.at[idxc_v.at[pl.ds(o, _CH)]],
                              bufb_v.at[b], semb.at[b]).wait()
        pltpu.sync_copy(bufa_v.at[b], ga_hbm.at[pl.ds(base + o, _CH)])
        pltpu.sync_copy(bufb_v.at[b], gb_hbm.at[pl.ds(base + o, _CH)])

    start(0, 0)

    def body(k, carry):
        b = lax.rem(k, 2)
        @pl.when(k + 1 < _NCHUNK)
        def _():
            start(k + 1, 1 - b)
        finish(k, b)
        return carry

    lax.fori_loop(0, _NCHUNK, body, 0)


def _gather_call(ei, ta, tb):
    mesh = plsc.VectorSubcoreMesh(core_axis_name="c", subcore_axis_name="s",
                                  num_cores=_NC, num_subcores=_NS)
    f = functools.partial(
        pl.kernel,
        out_type=[
            jax.ShapeDtypeStruct((_E, _TW), jnp.float32),
            jax.ShapeDtypeStruct((_E, _TW), jnp.float32),
        ],
        mesh=mesh,
        compiler_params=pltpu.CompilerParams(use_tc_tiling_on_sc=False),
        scratch_types=[
            pltpu.VMEM((_EPW,), jnp.int32),
            pltpu.VMEM((_EPW,), jnp.int32),
            pltpu.VMEM((2, _CH, _TW), jnp.float32),
            pltpu.VMEM((2, _CH, _TW), jnp.float32),
            pltpu.SemaphoreType.DMA((2,)),
            pltpu.SemaphoreType.DMA((2,)),
        ],
    )(_gather_body)
    return f(ei, ta, tb)


def _edge_body(ga_ref, gb_ref, ea_ref, WeAT_ref, wr_ref, We2T_ref, be2_ref,
               Wc1T_ref, bc1_ref, wc2_ref, bc2_ref, efx_ref):
    ga = ga_ref[...]
    gb = gb_ref[...]
    cd = ga[:, _D:] - gb[:, _D:]
    radial = jnp.sum(cd * cd, axis=1, keepdims=True)
    t1 = (ga[:, :_D] + gb[:, :_D] + radial * wr_ref[...]
          + jnp.dot(ea_ref[...], WeAT_ref[...], preferred_element_type=jnp.float32))
    t1 = _silu(t1)
    ef = jnp.dot(t1, We2T_ref[...], preferred_element_type=jnp.float32) + be2_ref[...]
    ef = _silu(ef)
    cv = jnp.dot(ef, Wc1T_ref[...], preferred_element_type=jnp.float32) + bc1_ref[...]
    cv = _silu(cv)
    c = jnp.dot(cv, wc2_ref[...], preferred_element_type=jnp.float32) + bc2_ref[...]
    trans = jnp.clip(cd * c, -100.0, 100.0)
    lane = lax.broadcasted_iota(jnp.int32, trans.shape, 1)
    aux = jnp.where(lane == 3, 1.0, trans)
    efx_ref[:, :_D] = ef
    efx_ref[:, _D:] = aux


def _edge_call(ga, gb, edge_attr, WeAT, wrr, We2T, be2r, Wc1T, bc1r, wc2, bc2r):
    nblk = _E // _BE
    return pl.pallas_call(
        _edge_body,
        grid=(nblk,),
        in_specs=[
            pl.BlockSpec((_BE, _TW), lambda i: (i, 0)),
            pl.BlockSpec((_BE, _TW), lambda i: (i, 0)),
            pl.BlockSpec((_BE, _DE), lambda i: (i, 0)),
            pl.BlockSpec((_DE, _H), lambda i: (0, 0)),
            pl.BlockSpec((1, _H), lambda i: (0, 0)),
            pl.BlockSpec((_H, _H), lambda i: (0, 0)),
            pl.BlockSpec((1, _H), lambda i: (0, 0)),
            pl.BlockSpec((_H, _H), lambda i: (0, 0)),
            pl.BlockSpec((1, _H), lambda i: (0, 0)),
            pl.BlockSpec((_H, 1), lambda i: (0, 0)),
            pl.BlockSpec((1, 1), lambda i: (0, 0)),
        ],
        out_specs=pl.BlockSpec((_BE, _TW), lambda i: (i, 0)),
        out_shape=jax.ShapeDtypeStruct((_E, _TW), jnp.float32),
    )(ga, gb, edge_attr, WeAT, wrr, We2T, be2r, Wc1T, bc1r, wc2, bc2r)


def _scatter_body(efx_hbm, ei_hbm, zeros_hbm, out_hbm, idx_v, data_v, acc_sh,
                  semi, semd):
    cid = lax.axis_index("c")
    sid = lax.axis_index("s")
    wid = cid * _NS + sid
    base = wid * _EPW

    rbase = sid * _NROWS_PER_SUB
    pltpu.sync_copy(zeros_hbm.at[pl.ds(rbase, _NROWS_PER_SUB)],
                    acc_sh.at[pl.ds(rbase, _NROWS_PER_SUB)])
    plsc.subcore_barrier()

    def start(k, b):
        off = base + k * _CH
        pltpu.async_copy(ei_hbm.at[0, pl.ds(off, _CH)], idx_v.at[b],
                         semi.at[b])
        pltpu.async_copy(efx_hbm.at[pl.ds(off, _CH)], data_v.at[b],
                         semd.at[b])

    def finish(k, b):
        off = base + k * _CH
        pltpu.make_async_copy(ei_hbm.at[0, pl.ds(off, _CH)], idx_v.at[b],
                              semi.at[b]).wait()
        pltpu.make_async_copy(efx_hbm.at[pl.ds(off, _CH)], data_v.at[b],
                              semd.at[b]).wait()
        pltpu.sync_copy(data_v.at[b], acc_sh.at[idx_v.at[b]], add=True)

    start(0, 0)

    def body(k, carry):
        b = lax.rem(k, 2)
        @pl.when(k + 1 < _NCHUNK)
        def _():
            start(k + 1, 1 - b)
        finish(k, b)
        return carry

    lax.fori_loop(0, _NCHUNK, body, 0)

    plsc.subcore_barrier()
    pltpu.sync_copy(acc_sh.at[pl.ds(rbase, _NROWS_PER_SUB)],
                    out_hbm.at[cid, pl.ds(rbase, _NROWS_PER_SUB)])


def _scatter_call(efx, ei, zeros_nt):
    mesh = plsc.VectorSubcoreMesh(core_axis_name="c", subcore_axis_name="s",
                                  num_cores=_NC, num_subcores=_NS)
    f = functools.partial(
        pl.kernel,
        out_type=jax.ShapeDtypeStruct((_NC, _N, _TW), jnp.float32),
        mesh=mesh,
        compiler_params=pltpu.CompilerParams(use_tc_tiling_on_sc=False),
        scratch_types=[
            pltpu.VMEM((2, _CH), jnp.int32),
            pltpu.VMEM((2, _CH, _TW), jnp.float32),
            pltpu.VMEM_SHARED((_N, _TW), jnp.float32),
            pltpu.SemaphoreType.DMA((2,)),
            pltpu.SemaphoreType.DMA((2,)),
        ],
    )(_scatter_body)
    return f(efx, ei, zeros_nt)


def _node_body(h_ref, acc_ref, coord_ref, vel_ref, Wn1hT_ref, Wn1aT_ref,
               bn1_ref, Wn2T_ref, bn2_ref, h2_ref, coord2_ref, vel2_ref):
    acc = acc_ref[0] + acc_ref[1]
    agg = acc[:, :_D]
    trans_sum = acc[:, _D:_D + 3]
    cnt = jnp.clip(acc[:, _D + 3:_D + 4], 1.0, None)
    a_like = trans_sum / cnt
    vel2 = vel_ref[...] + a_like * _STEP
    vel2_ref[...] = vel2
    coord2_ref[...] = coord_ref[...] + vel2 * _STEP
    h = h_ref[...]
    n1 = (jnp.dot(h, Wn1hT_ref[...], preferred_element_type=jnp.float32)
          + jnp.dot(agg, Wn1aT_ref[...], preferred_element_type=jnp.float32)
          + bn1_ref[...])
    n1 = _silu(n1)
    h2_ref[...] = h + jnp.dot(n1, Wn2T_ref[...], preferred_element_type=jnp.float32) + bn2_ref[...]


def _node_call(h, acc, coord, vel, Wn1hT, Wn1aT, bn1r, Wn2T, bn2r):
    nblk = pl.cdiv(_N, _BN)
    return pl.pallas_call(
        _node_body,
        grid=(nblk,),
        in_specs=[
            pl.BlockSpec((_BN, _D), lambda i: (i, 0)),
            pl.BlockSpec((_NC, _BN, _TW), lambda i: (0, i, 0)),
            pl.BlockSpec((_BN, 3), lambda i: (i, 0)),
            pl.BlockSpec((_BN, 3), lambda i: (i, 0)),
            pl.BlockSpec((_D, _H), lambda i: (0, 0)),
            pl.BlockSpec((_H, _H), lambda i: (0, 0)),
            pl.BlockSpec((1, _H), lambda i: (0, 0)),
            pl.BlockSpec((_H, _D), lambda i: (0, 0)),
            pl.BlockSpec((1, _D), lambda i: (0, 0)),
        ],
        out_specs=[
            pl.BlockSpec((_BN, _D), lambda i: (i, 0)),
            pl.BlockSpec((_BN, 3), lambda i: (i, 0)),
            pl.BlockSpec((_BN, 3), lambda i: (i, 0)),
        ],
        out_shape=[
            jax.ShapeDtypeStruct((_N, _D), jnp.float32),
            jax.ShapeDtypeStruct((_N, 3), jnp.float32),
            jax.ShapeDtypeStruct((_N, 3), jnp.float32),
        ],
    )(h, acc, coord, vel, Wn1hT, Wn1aT, bn1r, Wn2T, bn2r)


@jax.jit
def kernel(h, edge_index, coord, vel, edge_attr, We1, be1, We2, be2,
           Wn1, bn1, Wn2, bn2, Wc1, bc1, Wc2, bc2):
    coordp = jnp.pad(coord, ((0, 0), (0, _TW - _D - 3)))
    WaT = We1[:, :_D].T
    WbT = We1[:, _D:2 * _D].T
    wrr = We1[:, 2 * _D].reshape(1, _H)
    WeAT = We1[:, 2 * _D + 1:].T
    be1r = be1.reshape(1, _H)
    be2r = be2.reshape(1, _H)
    bc1r = bc1.reshape(1, _H)
    wc2 = Wc2.T
    bc2r = bc2.reshape(1, 1)
    Wn1hT = Wn1[:, :_D].T
    Wn1aT = Wn1[:, _D:].T
    bn1r = bn1.reshape(1, _H)
    Wn2T = Wn2.T
    bn2r = bn2.reshape(1, _D)
    zeros_nt = jnp.zeros((_N, _TW), jnp.float32)

    ta, tb = _prep_call(h, coordp, WaT, WbT, be1r)
    ga, gb = _gather_call(edge_index, ta, tb)
    efx = _edge_call(ga, gb, edge_attr, WeAT, wrr, We2T := We2.T, be2r,
                     Wc1.T, bc1r, wc2, bc2r)
    acc = _scatter_call(efx, edge_index, zeros_nt)
    h2, coord2, vel2 = _node_call(h, acc, coord, vel, Wn1hT, Wn1aT, bn1r,
                                  Wn2T, bn2r)
    return (h2, coord2, vel2)

# --- scband reference (transcript-rebuilt; emitter-appended) ---
"""Pipeline reference for scband-segno-gcl-31172872634798 (READ-ONLY COPY).

The authoritative reference and input builder live on the scoring server;
editing this copy changes nothing except your own understanding.
"""

import jax, jax.numpy as jnp
import numpy as np

N = 10000
E = 320000
D = 128
H = 128
DE = 16
N_LAYERS = 4
COORDS_WEIGHT = 1.0


def _seg_sum(data, ids, num):
    return jax.ops.segment_sum(data, ids, num_segments=num)


def _seg_mean(data, ids, num):
    s = jax.ops.segment_sum(data, ids, num_segments=num)
    c = jax.ops.segment_sum(jnp.ones_like(data), ids, num_segments=num)
    return s / jnp.clip(c, 1.0, None)


def setup_inputs(seed: int = 0):
    key = jax.random.key(seed)
    ks = jax.random.split(key, 12)
    inp = {}
    inp["h"] = jax.random.normal(ks[0], (N, D), dtype=jnp.float32)
    inp["edge_index"] = jax.random.randint(ks[1], (2, E), 0, N, dtype=jnp.int32)
    inp["coord"] = jax.random.normal(ks[2], (N, 3), dtype=jnp.float32)
    inp["vel"] = jax.random.normal(ks[3], (N, 3), dtype=jnp.float32)
    inp["edge_attr"] = jax.random.normal(ks[4], (E, DE), dtype=jnp.float32)
    s = 0.05
    inp["We1"] = jax.random.normal(ks[5], (H, 2 * D + 1 + DE), dtype=jnp.float32) * s
    inp["be1"] = jnp.zeros((H,), dtype=jnp.float32)
    inp["We2"] = jax.random.normal(ks[6], (H, H), dtype=jnp.float32) * s
    inp["be2"] = jnp.zeros((H,), dtype=jnp.float32)
    inp["Wn1"] = jax.random.normal(ks[7], (H, H + D), dtype=jnp.float32) * s
    inp["bn1"] = jnp.zeros((H,), dtype=jnp.float32)
    inp["Wn2"] = jax.random.normal(ks[8], (D, H), dtype=jnp.float32) * s
    inp["bn2"] = jnp.zeros((D,), dtype=jnp.float32)
    inp["Wc1"] = jax.random.normal(ks[9], (H, H), dtype=jnp.float32) * s
    inp["bc1"] = jnp.zeros((H,), dtype=jnp.float32)
    inp["Wc2"] = jax.random.normal(ks[10], (1, H), dtype=jnp.float32) * 0.001
    inp["bc2"] = jnp.zeros((1,), dtype=jnp.float32)
    return inp


def reference(h, edge_index, coord, vel, edge_attr, We1, be1, We2, be2, Wn1, bn1, Wn2, bn2, Wc1, bc1, Wc2, bc2):
    step = 1.0 / float(N_LAYERS)
    row = edge_index[0]
    col = edge_index[1]
    # coord2radial
    coord_diff = coord[row] - coord[col]
    radial = jnp.sum(coord_diff ** 2, axis=1, keepdims=True)
    # edge_model
    e_in = jnp.concatenate([h[row], h[col], radial, edge_attr], axis=1)
    ef = jax.nn.silu(e_in @ We1.T + be1)
    ef = jax.nn.silu(ef @ We2.T + be2)
    # coord_model
    c = jax.nn.silu(ef @ Wc1.T + bc1)
    c = c @ Wc2.T + bc2
    trans = jnp.clip(coord_diff * c, -100.0, 100.0)
    a_like = _seg_mean(trans, row, N) * COORDS_WEIGHT
    # integrate
    vel2 = vel + a_like * step
    coord2 = coord + vel2 * step
    # node_model
    agg = _seg_sum(ef, row, N)
    n_in = jnp.concatenate([h, agg], axis=1)
    h2 = h + (jax.nn.silu(n_in @ Wn1.T + bn1) @ Wn2.T + bn2)
    return (h2, coord2, vel2)

if __name__ == "__main__":
    import jax
    _d = setup_inputs()
    print(jax.jit(kernel)(*tuple(_d.values())))

</pallas_src>

<mosaic_0001>
#map = affine_map<(d0, d1) -> (0, 0)>
module attributes {stable_mosaic.version = 14 : i64} {
  func.func @_gather_body(%arg0: i32, %arg1: i32, %arg2: memref<2x320000xi32, #tpu.memory_space<hbm>>, %arg3: memref<10000x144xf32, #tpu.memory_space<hbm>>, %arg4: memref<10000x144xf32, #tpu.memory_space<hbm>>, %arg5: memref<320000x144xf32, #tpu.memory_space<hbm>>, %arg6: memref<320000x144xf32, #tpu.memory_space<hbm>>, %arg7: memref<10000xi32, #tpu.memory_space<vmem>>, %arg8: memref<10000xi32, #tpu.memory_space<vmem>>, %arg9: memref<2x80x144xf32, #tpu.memory_space<vmem>>, %arg10: memref<2x80x144xf32, #tpu.memory_space<vmem>>, %arg11: memref<2x!tpu.dma_semaphore, #tpu.memory_space<semaphore_mem>>, %arg12: memref<2x!tpu.dma_semaphore, #tpu.memory_space<semaphore_mem>>) attributes {dimension_semantics = [#tpu.dimension_semantics<core_parallel>, #tpu.dimension_semantics<subcore_parallel>], iteration_bounds = array<i64: 2, 16>, scalar_prefetch = 0 : i64, scratch_operands = 6 : i64, tpu.core_type = #tpu.core_type<sc_vector_subcore>, window_params = [{transform_indices = #map}, {transform_indices = #map}, {transform_indices = #map}, {transform_indices = #map}, {transform_indices = #map}]} {
    %mul3A = arith.constant 16 : i32
    %mul3A_0 = arith.muli %arg0, %mul3A : i32
    %add3A = arith.addi %mul3A_0, %arg1 : i32
    %mul3A_1 = arith.constant 10000 : i32
    %mul3A_2 = arith.muli %add3A, %mul3A_1 : i32
    %run_scoped3A = arith.constant 0 : i32
    "tpu.region"() ({
      %run_scoped3A_34 = tpu.sem_alloc : memref<!tpu.dma_semaphore, #tpu.memory_space<semaphore_mem>>
      %dma_start3A_35 = tpu.memref_slice %arg2[%run_scoped3A, %mul3A_2] : memref<2x320000xi32, #tpu.memory_space<hbm>> -> memref<1x10000xi32, #tpu.memory_space<hbm>>
      %dma_start3A_36 = tpu.memref_squeeze %dma_start3A_35 : memref<1x10000xi32, #tpu.memory_space<hbm>> -> memref<10000xi32, #tpu.memory_space<hbm>>
      %dma_start3A_37 = tpu.memref_slice %arg2[%run_scoped3A, %mul3A_2] : memref<2x320000xi32, #tpu.memory_space<hbm>> -> memref<1x10000xi32, #tpu.memory_space<hbm>>
      %dma_start3A_38 = tpu.memref_squeeze %dma_start3A_37 : memref<1x10000xi32, #tpu.memory_space<hbm>> -> memref<10000xi32, #tpu.memory_space<hbm>>
      tpu.enqueue_dma source(%dma_start3A_38 : memref<10000xi32, #tpu.memory_space<hbm>>) target(%arg7 : memref<10000xi32, #tpu.memory_space<vmem>>) target_semaphore(%run_scoped3A_34 : memref<!tpu.dma_semaphore, #tpu.memory_space<semaphore_mem>>)
      %dma_wait3A = tpu.memref_slice %arg2[%run_scoped3A, %mul3A_2] : memref<2x320000xi32, #tpu.memory_space<hbm>> -> memref<1x10000xi32, #tpu.memory_space<hbm>>
      %dma_wait3A_39 = tpu.memref_squeeze %dma_wait3A : memref<1x10000xi32, #tpu.memory_space<hbm>> -> memref<10000xi32, #tpu.memory_space<hbm>>
      %dma_wait3A_40 = tpu.memref_slice %arg2[%run_scoped3A, %mul3A_2] : memref<2x320000xi32, #tpu.memory_space<hbm>> -> memref<1x10000xi32, #tpu.memory_space<hbm>>
      %dma_wait3A_41 = tpu.memref_squeeze %dma_wait3A_40 : memref<1x10000xi32, #tpu.memory_space<hbm>> -> memref<10000xi32, #tpu.memory_space<hbm>>
      tpu.wait_dma2 semaphore(%run_scoped3A_34 : memref<!tpu.dma_semaphore, #tpu.memory_space<semaphore_mem>>) src(%dma_wait3A_41 : memref<10000xi32, #tpu.memory_space<hbm>>) dst(%arg7 : memref<10000xi32, #tpu.memory_space<vmem>>)
      tpu.yield
    }) : () -> ()
    %run_scoped3A_3 = arith.constant 1 : i32
    "tpu.region"() ({
      %run_scoped3A_34 = tpu.sem_alloc : memref<!tpu.dma_semaphore, #tpu.memory_space<semaphore_mem>>
      %dma_start3A_35 = tpu.memref_slice %arg2[%run_scoped3A_3, %mul3A_2] : memref<2x320000xi32, #tpu.memory_space<hbm>> -> memref<1x10000xi32, #tpu.memory_space<hbm>>
      %dma_start3A_36 = tpu.memref_squeeze %dma_start3A_35 : memref<1x10000xi32, #tpu.memory_space<hbm>> -> memref<10000xi32, #tpu.memory_space<hbm>>
      %dma_start3A_37 = tpu.memref_slice %arg2[%run_scoped3A_3, %mul3A_2] : memref<2x320000xi32, #tpu.memory_space<hbm>> -> memref<1x10000xi32, #tpu.memory_space<hbm>>
      %dma_start3A_38 = tpu.memref_squeeze %dma_start3A_37 : memref<1x10000xi32, #tpu.memory_space<hbm>> -> memref<10000xi32, #tpu.memory_space<hbm>>
      tpu.enqueue_dma source(%dma_start3A_38 : memref<10000xi32, #tpu.memory_space<hbm>>) target(%arg8 : memref<10000xi32, #tpu.memory_space<vmem>>) target_semaphore(%run_scoped3A_34 : memref<!tpu.dma_semaphore, #tpu.memory_space<semaphore_mem>>)
      %dma_wait3A = tpu.memref_slice %arg2[%run_scoped3A_3, %mul3A_2] : memref<2x320000xi32, #tpu.memory_space<hbm>> -> memref<1x10000xi32, #tpu.memory_space<hbm>>
      %dma_wait3A_39 = tpu.memref_squeeze %dma_wait3A : memref<1x10000xi32, #tpu.memory_space<hbm>> -> memref<10000xi32, #tpu.memory_space<hbm>>
      %dma_wait3A_40 = tpu.memref_slice %arg2[%run_scoped3A_3, %mul3A_2] : memref<2x320000xi32, #tpu.memory_space<hbm>> -> memref<1x10000xi32, #tpu.memory_space<hbm>>
      %dma_wait3A_41 = tpu.memref_squeeze %dma_wait3A_40 : memref<1x10000xi32, #tpu.memory_space<hbm>> -> memref<10000xi32, #tpu.memory_space<hbm>>
      tpu.wait_dma2 semaphore(%run_scoped3A_34 : memref<!tpu.dma_semaphore, #tpu.memory_space<semaphore_mem>>) src(%dma_wait3A_41 : memref<10000xi32, #tpu.memory_space<hbm>>) dst(%arg8 : memref<10000xi32, #tpu.memory_space<vmem>>)
      tpu.yield
    }) : () -> ()
    %dma_start3A = arith.constant 0 : i32
    %dma_start3A_4 = arith.constant 0 : i32
    %dma_start3A_5 = arith.constant 0 : i32
    %dma_start3A_6 = arith.constant 0 : i32
    %dma_start3A_7 = tpu.memref_slice %arg9[%dma_start3A, %dma_start3A_5, %dma_start3A_6] : memref<2x80x144xf32, #tpu.memory_space<vmem>> -> memref<1x80x144xf32, #tpu.memory_space<vmem>>
    %dma_start3A_8 = tpu.memref_squeeze %dma_start3A_7 : memref<1x80x144xf32, #tpu.memory_space<vmem>> -> memref<80x144xf32, #tpu.memory_space<vmem>>
    %dma_start3A_9 = arith.constant 0 : i32
    %dma_start3A_10 = tpu.memref_slice %arg7[%dma_start3A_9] : memref<10000xi32, #tpu.memory_space<vmem>> -> memref<80xi32, #tpu.memory_space<vmem>>
    %dma_start3A_11 = arith.constant 0 : i32
    %dma_start3A_12 = arith.constant 0 : i32
    %dma_start3A_13 = tpu.memref_slice %arg3[%dma_start3A_11, %dma_start3A_12] : memref<10000x144xf32, #tpu.memory_space<hbm>> -> memref<10000x144xf32, #tpu.memory_space<hbm>>
    %dma_start3A_14 = tpu.memref_slice %arg11[%dma_start3A_4] : memref<2x!tpu.dma_semaphore, #tpu.memory_space<semaphore_mem>> -> memref<1x!tpu.dma_semaphore, #tpu.memory_space<semaphore_mem>>
    %dma_start3A_15 = tpu.memref_squeeze %dma_start3A_14 : memref<1x!tpu.dma_semaphore, #tpu.memory_space<semaphore_mem>> -> memref<!tpu.dma_semaphore, #tpu.memory_space<semaphore_mem>>
    tpu.enqueue_indirect_dma source(%dma_start3A_13 : memref<10000x144xf32, #tpu.memory_space<hbm>>) target(%dma_start3A_8 : memref<80x144xf32, #tpu.memory_space<vmem>>) offsets(%dma_start3A_10 : memref<80xi32, #tpu.memory_space<vmem>>) semaphore(%dma_start3A_15 : memref<!tpu.dma_semaphore, #tpu.memory_space<semaphore_mem>>)
    %dma_start3A_16 = arith.constant 0 : i32
    %dma_start3A_17 = arith.constant 0 : i32
    %dma_start3A_18 = arith.constant 0 : i32
    %dma_start3A_19 = arith.constant 0 : i32
    %dma_start3A_20 = tpu.memref_slice %arg10[%dma_start3A_16, %dma_start3A_18, %dma_start3A_19] : memref<2x80x144xf32, #tpu.memory_space<vmem>> -> memref<1x80x144xf32, #tpu.memory_space<vmem>>
    %dma_start3A_21 = tpu.memref_squeeze %dma_start3A_20 : memref<1x80x144xf32, #tpu.memory_space<vmem>> -> memref<80x144xf32, #tpu.memory_space<vmem>>
    %dma_start3A_22 = arith.constant 0 : i32
    %dma_start3A_23 = tpu.memref_slice %arg8[%dma_start3A_22] : memref<10000xi32, #tpu.memory_space<vmem>> -> memref<80xi32, #tpu.memory_space<vmem>>
    %dma_start3A_24 = arith.constant 0 : i32
    %dma_start3A_25 = arith.constant 0 : i32
    %dma_start3A_26 = tpu.memref_slice %arg4[%dma_start3A_24, %dma_start3A_25] : memref<10000x144xf32, #tpu.memory_space<hbm>> -> memref<10000x144xf32, #tpu.memory_space<hbm>>
    %dma_start3A_27 = tpu.memref_slice %arg12[%dma_start3A_17] : memref<2x!tpu.dma_semaphore, #tpu.memory_space<semaphore_mem>> -> memref<1x!tpu.dma_semaphore, #tpu.memory_space<semaphore_mem>>
    %dma_start3A_28 = tpu.memref_squeeze %dma_start3A_27 : memref<1x!tpu.dma_semaphore, #tpu.memory_space<semaphore_mem>> -> memref<!tpu.dma_semaphore, #tpu.memory_space<semaphore_mem>>
    tpu.enqueue_indirect_dma source(%dma_start3A_26 : memref<10000x144xf32, #tpu.memory_space<hbm>>) target(%dma_start3A_21 : memref<80x144xf32, #tpu.memory_space<vmem>>) offsets(%dma_start3A_23 : memref<80xi32, #tpu.memory_space<vmem>>) semaphore(%dma_start3A_28 : memref<!tpu.dma_semaphore, #tpu.memory_space<semaphore_mem>>)
    %scan3A = arith.constant 0 : i32
    %scan3A_29 = arith.constant 0 : i32
    %scan3A_30 = arith.constant 125 : i32
    %scan3A_31 = arith.addi %scan3A_29, %scan3A_30 : i32
    %scan3A_32 = arith.constant 1 : i32
    scf.for %scan3A_34 = %scan3A_29 to %scan3A_31 step %scan3A_32  : i32 {
      %rem3A = arith.constant 2 : i32
      %rem3A_35 = arith.remsi %scan3A_34, %rem3A : i32
      %add3A_36 = arith.constant 1 : i32
      %add3A_37 = arith.addi %scan3A_34, %add3A_36 : i32
      %lt3A = arith.constant 125 : i32
      %lt3A_38 = arith.cmpi slt, %add3A_37, %lt3A : i32
      %convert_element_type3A = arith.extui %lt3A_38 : i1 to i32
      %cond3A = arith.constant 0 : i32
      %cond3A_39 = arith.cmpi ne, %convert_element_type3A, %cond3A : i32
      scf.if %cond3A_39 {
        %add3A_63 = arith.constant 1 : i32
        %add3A_64 = arith.addi %scan3A_34, %add3A_63 : i32
        %sub3A = arith.constant 1 : i32
        %sub3A_65 = arith.subi %sub3A, %rem3A_35 : i32
        %mul3A_66 = arith.constant 80 : i32
        %mul3A_67 = arith.muli %add3A_64, %mul3A_66 : i32
        %dma_start3A_68 = arith.constant 0 : i32
        %dma_start3A_69 = arith.constant 0 : i32
        %dma_start3A_70 = tpu.memref_slice %arg9[%sub3A_65, %dma_start3A_68, %dma_start3A_69] : memref<2x80x144xf32, #tpu.memory_space<vmem>> -> memref<1x80x144xf32, #tpu.memory_space<vmem>>
        %dma_start3A_71 = tpu.memref_squeeze %dma_start3A_70 : memref<1x80x144xf32, #tpu.memory_space<vmem>> -> memref<80x144xf32, #tpu.memory_space<vmem>>
        %dma_start3A_72 = tpu.memref_slice %arg7[%mul3A_67] : memref<10000xi32, #tpu.memory_space<vmem>> -> memref<80xi32, #tpu.memory_space<vmem>>
        %dma_start3A_73 = arith.constant 0 : i32
        %dma_start3A_74 = arith.constant 0 : i32
        %dma_start3A_75 = tpu.memref_slice %arg3[%dma_start3A_73, %dma_start3A_74] : memref<10000x144xf32, #tpu.memory_space<hbm>> -> memref<10000x144xf32, #tpu.memory_space<hbm>>
        %dma_start3A_76 = tpu.memref_slice %arg11[%sub3A_65] : memref<2x!tpu.dma_semaphore, #tpu.memory_space<semaphore_mem>> -> memref<1x!tpu.dma_semaphore, #tpu.memory_space<semaphore_mem>>
        %dma_start3A_77 = tpu.memref_squeeze %dma_start3A_76 : memref<1x!tpu.dma_semaphore, #tpu.memory_space<semaphore_mem>> -> memref<!tpu.dma_semaphore, #tpu.memory_space<semaphore_mem>>
        tpu.enqueue_indirect_dma source(%dma_start3A_75 : memref<10000x144xf32, #tpu.memory_space<hbm>>) target(%dma_start3A_71 : memref<80x144xf32, #tpu.memory_space<vmem>>) offsets(%dma_start3A_72 : memref<80xi32, #tpu.memory_space<vmem>>) semaphore(%dma_start3A_77 : memref<!tpu.dma_semaphore, #tpu.memory_space<semaphore_mem>>)
        %dma_start3A_78 = arith.constant 0 : i32
        %dma_start3A_79 = arith.constant 0 : i32
        %dma_start3A_80 = tpu.memref_slice %arg10[%sub3A_65, %dma_start3A_78, %dma_start3A_79] : memref<2x80x144xf32, #tpu.memory_space<vmem>> -> memref<1x80x144xf32, #tpu.memory_space<vmem>>
        %dma_start3A_81 = tpu.memref_squeeze %dma_start3A_80 : memref<1x80x144xf32, #tpu.memory_space<vmem>> -> memref<80x144xf32, #tpu.memory_space<vmem>>
        %dma_start3A_82 = tpu.memref_slice %arg8[%mul3A_67] : memref<10000xi32, #tpu.memory_space<vmem>> -> memref<80xi32, #tpu.memory_space<vmem>>
        %dma_start3A_83 = arith.constant 0 : i32
        %dma_start3A_84 = arith.constant 0 : i32
        %dma_start3A_85 = tpu.memref_slice %arg4[%dma_start3A_83, %dma_start3A_84] : memref<10000x144xf32, #tpu.memory_space<hbm>> -> memref<10000x144xf32, #tpu.memory_space<hbm>>
        %dma_start3A_86 = tpu.memref_slice %arg12[%sub3A_65] : memref<2x!tpu.dma_semaphore, #tpu.memory_space<semaphore_mem>> -> memref<1x!tpu.dma_semaphore, #tpu.memory_space<semaphore_mem>>
        %dma_start3A_87 = tpu.memref_squeeze %dma_start3A_86 : memref<1x!tpu.dma_semaphore, #tpu.memory_space<semaphore_mem>> -> memref<!tpu.dma_semaphore, #tpu.memory_space<semaphore_mem>>
        tpu.enqueue_indirect_dma source(%dma_start3A_85 : memref<10000x144xf32, #tpu.memory_space<hbm>>) target(%dma_start3A_81 : memref<80x144xf32, #tpu.memory_space<vmem>>) offsets(%dma_start3A_82 : memref<80xi32, #tpu.memory_space<vmem>>) semaphore(%dma_start3A_87 : memref<!tpu.dma_semaphore, #tpu.memory_space<semaphore_mem>>)
      } else {
      }
      %mul3A_40 = arith.constant 80 : i32
      %mul3A_41 = arith.muli %scan3A_34, %mul3A_40 : i32
      %dma_wait3A = arith.constant 0 : i32
      %dma_wait3A_42 = arith.constant 0 : i32
      %dma_wait3A_43 = tpu.memref_slice %arg9[%rem3A_35, %dma_wait3A, %dma_wait3A_42] : memref<2x80x144xf32, #tpu.memory_space<vmem>> -> memref<1x80x144xf32, #tpu.memory_space<vmem>>
      %dma_wait3A_44 = tpu.memref_squeeze %dma_wait3A_43 : memref<1x80x144xf32, #tpu.memory_space<vmem>> -> memref<80x144xf32, #tpu.memory_space<vmem>>
      %dma_wait3A_45 = tpu.memref_slice %arg7[%mul3A_41] : memref<10000xi32, #tpu.memory_space<vmem>> -> memref<80xi32, #tpu.memory_space<vmem>>
      %dma_wait3A_46 = arith.constant 0 : i32
      %dma_wait3A_47 = arith.constant 0 : i32
      %dma_wait3A_48 = tpu.memref_slice %arg3[%dma_wait3A_46, %dma_wait3A_47] : memref<10000x144xf32, #tpu.memory_space<hbm>> -> memref<10000x144xf32, #tpu.memory_space<hbm>>
      %dma_wait3A_49 = tpu.memref_slice %arg11[%rem3A_35] : memref<2x!tpu.dma_semaphore, #tpu.memory_space<semaphore_mem>> -> memref<1x!tpu.dma_semaphore, #tpu.memory_space<semaphore_mem>>
      %dma_wait3A_50 = tpu.memref_squeeze %dma_wait3A_49 : memref<1x!tpu.dma_semaphore, #tpu.memory_space<semaphore_mem>> -> memref<!tpu.dma_semaphore, #tpu.memory_space<semaphore_mem>>
      tpu.wait_indirect_dma semaphore(%dma_wait3A_50 : memref<!tpu.dma_semaphore, #tpu.memory_space<semaphore_mem>>) src(%dma_wait3A_48 : memref<10000x144xf32, #tpu.memory_space<hbm>>) dst(%dma_wait3A_44 : memref<80x144xf32, #tpu.memory_space<vmem>>)
      %dma_wait3A_51 = arith.constant 0 : i32
      %dma_wait3A_52 = arith.constant 0 : i32
      %dma_wait3A_53 = tpu.memref_slice %arg10[%rem3A_35, %dma_wait3A_51, %dma_wait3A_52] : memref<2x80x144xf32, #tpu.memory_space<vmem>> -> memref<1x80x144xf32, #tpu.memory_space<vmem>>
      %dma_wait3A_54 = tpu.memref_squeeze %dma_wait3A_53 : memref<1x80x144xf32, #tpu.memory_space<vmem>> -> memref<80x144xf32, #tpu.memory_space<vmem>>
      %dma_wait3A_55 = tpu.memref_slice %arg8[%mul3A_41] : memref<10000xi32, #tpu.memory_space<vmem>> -> memref<80xi32, #tpu.memory_space<vmem>>
      %dma_wait3A_56 = arith.constant 0 : i32
      %dma_wait3A_57 = arith.constant 0 : i32
      %dma_wait3A_58 = tpu.memref_slice %arg4[%dma_wait3A_56, %dma_wait3A_57] : memref<10000x144xf32, #tpu.memory_space<hbm>> -> memref<10000x144xf32, #tpu.memory_space<hbm>>
      %dma_wait3A_59 = tpu.memref_slice %arg12[%rem3A_35] : memref<2x!tpu.dma_semaphore, #tpu.memory_space<semaphore_mem>> -> memref<1x!tpu.dma_semaphore, #tpu.memory_space<semaphore_mem>>
      %dma_wait3A_60 = tpu.memref_squeeze %dma_wait3A_59 : memref<1x!tpu.dma_semaphore, #tpu.memory_space<semaphore_mem>> -> memref<!tpu.dma_semaphore, #tpu.memory_space<semaphore_mem>>
      tpu.wait_indirect_dma semaphore(%dma_wait3A_60 : memref<!tpu.dma_semaphore, #tpu.memory_space<semaphore_mem>>) src(%dma_wait3A_58 : memref<10000x144xf32, #tpu.memory_space<hbm>>) dst(%dma_wait3A_54 : memref<80x144xf32, #tpu.memory_space<vmem>>)
      %add3A_61 = arith.addi %mul3A_2, %mul3A_41 : i32
      "tpu.region"() ({
        %run_scoped3A_63 = tpu.sem_alloc : memref<!tpu.dma_semaphore, #tpu.memory_space<semaphore_mem>>
        %dma_start3A_64 = arith.constant 0 : i32
        %dma_start3A_65 = arith.constant 0 : i32
        %dma_start3A_66 = tpu.memref_slice %arg9[%rem3A_35, %dma_start3A_64, %dma_start3A_65] : memref<2x80x144xf32, #tpu.memory_space<vmem>> -> memref<1x80x144xf32, #tpu.memory_space<vmem>>
        %dma_start3A_67 = tpu.memref_squeeze %dma_start3A_66 : memref<1x80x144xf32, #tpu.memory_space<vmem>> -> memref<80x144xf32, #tpu.memory_space<vmem>>
        %dma_start3A_68 = arith.constant 0 : i32
        %dma_start3A_69 = tpu.memref_slice %arg5[%add3A_61, %dma_start3A_68] : memref<320000x144xf32, #tpu.memory_space<hbm>> -> memref<80x144xf32, #tpu.memory_space<hbm>>
        %dma_start3A_70 = arith.constant 0 : i32
        %dma_start3A_71 = tpu.memref_slice %arg5[%add3A_61, %dma_start3A_70] : memref<320000x144xf32, #tpu.memory_space<hbm>> -> memref<80x144xf32, #tpu.memory_space<hbm>>
        %dma_start3A_72 = arith.constant 0 : i32
        %dma_start3A_73 = arith.constant 0 : i32
        %dma_start3A_74 = tpu.memref_slice %arg9[%rem3A_35, %dma_start3A_72, %dma_start3A_73] : memref<2x80x144xf32, #tpu.memory_space<vmem>> -> memref<1x80x144xf32, #tpu.memory_space<vmem>>
        %dma_start3A_75 = tpu.memref_squeeze %dma_start3A_74 : memref<1x80x144xf32, #tpu.memory_space<vmem>> -> memref<80x144xf32, #tpu.memory_space<vmem>>
        tpu.enqueue_dma source(%dma_start3A_75 : memref<80x144xf32, #tpu.memory_space<vmem>>) target(%dma_start3A_71 : memref<80x144xf32, #tpu.memory_space<hbm>>) target_semaphore(%run_scoped3A_63 : memref<!tpu.dma_semaphore, #tpu.memory_space<semaphore_mem>>)
        %dma_wait3A_76 = arith.constant 0 : i32
        %dma_wait3A_77 = arith.constant 0 : i32
        %dma_wait3A_78 = tpu.memref_slice %arg9[%rem3A_35, %dma_wait3A_76, %dma_wait3A_77] : memref<2x80x144xf32, #tpu.memory_space<vmem>> -> memref<1x80x144xf32, #tpu.memory_space<vmem>>
        %dma_wait3A_79 = tpu.memref_squeeze %dma_wait3A_78 : memref<1x80x144xf32, #tpu.memory_space<vmem>> -> memref<80x144xf32, #tpu.memory_space<vmem>>
        %dma_wait3A_80 = arith.constant 0 : i32
        %dma_wait3A_81 = tpu.memref_slice %arg5[%add3A_61, %dma_wait3A_80] : memref<320000x144xf32, #tpu.memory_space<hbm>> -> memref<80x144xf32, #tpu.memory_space<hbm>>
        %dma_wait3A_82 = arith.constant 0 : i32
        %dma_wait3A_83 = tpu.memref_slice %arg5[%add3A_61, %dma_wait3A_82] : memref<320000x144xf32, #tpu.memory_space<hbm>> -> memref<80x144xf32, #tpu.memory_space<hbm>>
        %dma_wait3A_84 = arith.constant 0 : i32
        %dma_wait3A_85 = arith.constant 0 : i32
        %dma_wait3A_86 = tpu.memref_slice %arg9[%rem3A_35, %dma_wait3A_84, %dma_wait3A_85] : memref<2x80x144xf32, #tpu.memory_space<vmem>> -> memref<1x80x144xf32, #tpu.memory_space<vmem>>
        %dma_wait3A_87 = tpu.memref_squeeze %dma_wait3A_86 : memref<1x80x144xf32, #tpu.memory_space<vmem>> -> memref<80x144xf32, #tpu.memory_space<vmem>>
        tpu.wait_dma2 semaphore(%run_scoped3A_63 : memref<!tpu.dma_semaphore, #tpu.memory_space<semaphore_mem>>) src(%dma_wait3A_87 : memref<80x144xf32, #tpu.memory_space<vmem>>) dst(%dma_wait3A_83 : memref<80x144xf32, #tpu.memory_space<hbm>>)
        tpu.yield
      }) : () -> ()
      %add3A_62 = arith.addi %mul3A_2, %mul3A_41 : i32
      "tpu.region"() ({
        %run_scoped3A_63 = tpu.sem_alloc : memref<!tpu.dma_semaphore, #tpu.memory_space<semaphore_mem>>
        %dma_start3A_64 = arith.constant 0 : i32
        %dma_start3A_65 = arith.constant 0 : i32
        %dma_start3A_66 = tpu.memref_slice %arg10[%rem3A_35, %dma_start3A_64, %dma_start3A_65] : memref<2x80x144xf32, #tpu.memory_space<vmem>> -> memref<1x80x144xf32, #tpu.memory_space<vmem>>
        %dma_start3A_67 = tpu.memref_squeeze %dma_start3A_66 : memref<1x80x144xf32, #tpu.memory_space<vmem>> -> memref<80x144xf32, #tpu.memory_space<vmem>>
        %dma_start3A_68 = arith.constant 0 : i32
        %dma_start3A_69 = tpu.memref_slice %arg6[%add3A_62, %dma_start3A_68] : memref<320000x144xf32, #tpu.memory_space<hbm>> -> memref<80x144xf32, #tpu.memory_space<hbm>>
        %dma_start3A_70 = arith.constant 0 : i32
        %dma_start3A_71 = tpu.memref_slice %arg6[%add3A_62, %dma_start3A_70] : memref<320000x144xf32, #tpu.memory_space<hbm>> -> memref<80x144xf32, #tpu.memory_space<hbm>>
        %dma_start3A_72 = arith.constant 0 : i32
        %dma_start3A_73 = arith.constant 0 : i32
        %dma_start3A_74 = tpu.memref_slice %arg10[%rem3A_35, %dma_start3A_72, %dma_start3A_73] : memref<2x80x144xf32, #tpu.memory_space<vmem>> -> memref<1x80x144xf32, #tpu.memory_space<vmem>>
        %dma_start3A_75 = tpu.memref_squeeze %dma_start3A_74 : memref<1x80x144xf32, #tpu.memory_space<vmem>> -> memref<80x144xf32, #tpu.memory_space<vmem>>
        tpu.enqueue_dma source(%dma_start3A_75 : memref<80x144xf32, #tpu.memory_space<vmem>>) target(%dma_start3A_71 : memref<80x144xf32, #tpu.memory_space<hbm>>) target_semaphore(%run_scoped3A_63 : memref<!tpu.dma_semaphore, #tpu.memory_space<semaphore_mem>>)
        %dma_wait3A_76 = arith.constant 0 : i32
        %dma_wait3A_77 = arith.constant 0 : i32
        %dma_wait3A_78 = tpu.memref_slice %arg10[%rem3A_35, %dma_wait3A_76, %dma_wait3A_77] : memref<2x80x144xf32, #tpu.memory_space<vmem>> -> memref<1x80x144xf32, #tpu.memory_space<vmem>>
        %dma_wait3A_79 = tpu.memref_squeeze %dma_wait3A_78 : memref<1x80x144xf32, #tpu.memory_space<vmem>> -> memref<80x144xf32, #tpu.memory_space<vmem>>
        %dma_wait3A_80 = arith.constant 0 : i32
        %dma_wait3A_81 = tpu.memref_slice %arg6[%add3A_62, %dma_wait3A_80] : memref<320000x144xf32, #tpu.memory_space<hbm>> -> memref<80x144xf32, #tpu.memory_space<hbm>>
        %dma_wait3A_82 = arith.constant 0 : i32
        %dma_wait3A_83 = tpu.memref_slice %arg6[%add3A_62, %dma_wait3A_82] : memref<320000x144xf32, #tpu.memory_space<hbm>> -> memref<80x144xf32, #tpu.memory_space<hbm>>
        %dma_wait3A_84 = arith.constant 0 : i32
        %dma_wait3A_85 = arith.constant 0 : i32
        %dma_wait3A_86 = tpu.memref_slice %arg10[%rem3A_35, %dma_wait3A_84, %dma_wait3A_85] : memref<2x80x144xf32, #tpu.memory_space<vmem>> -> memref<1x80x144xf32, #tpu.memory_space<vmem>>
        %dma_wait3A_87 = tpu.memref_squeeze %dma_wait3A_86 : memref<1x80x144xf32, #tpu.memory_space<vmem>> -> memref<80x144xf32, #tpu.memory_space<vmem>>
        tpu.wait_dma2 semaphore(%run_scoped3A_63 : memref<!tpu.dma_semaphore, #tpu.memory_space<semaphore_mem>>) src(%dma_wait3A_87 : memref<80x144xf32, #tpu.memory_space<vmem>>) dst(%dma_wait3A_83 : memref<80x144xf32, #tpu.memory_space<hbm>>)
        tpu.yield
      }) : () -> ()
    }
    %scan3A_33 = arith.constant 125 : i32
    return
  }
}

#map = affine_map<(d0, d1) -> (0, 0)>
#map1 = affine_map<(d0, d1) -> (0, 0, 0)>
module attributes {stable_mosaic.version = 14 : i64} {
  func.func @_scatter_body(%arg0: i32, %arg1: i32, %arg2: memref<320000x144xf32, #tpu.memory_space<hbm>>, %arg3: memref<2x320000xi32, #tpu.memory_space<hbm>>, %arg4: memref<10000x144xf32, #tpu.memory_space<hbm>>, %arg5: memref<2x10000x144xf32, #tpu.memory_space<hbm>>, %arg6: memref<2x80xi32, #tpu.memory_space<vmem>>, %arg7: memref<2x80x144xf32, #tpu.memory_space<vmem>>, %arg8: memref<10000x144xf32, #tpu.memory_space<vmem_shared>>, %arg9: memref<2x!tpu.dma_semaphore, #tpu.memory_space<semaphore_mem>>, %arg10: memref<2x!tpu.dma_semaphore, #tpu.memory_space<semaphore_mem>>) attributes {dimension_semantics = [#tpu.dimension_semantics<core_parallel>, #tpu.dimension_semantics<subcore_parallel>], iteration_bounds = array<i64: 2, 16>, scalar_prefetch = 0 : i64, scratch_operands = 5 : i64, tpu.core_type = #tpu.core_type<sc_vector_subcore>, window_params = [{transform_indices = #map}, {transform_indices = #map}, {transform_indices = #map}, {transform_indices = #map1}]} {
    %mul3A = arith.constant 16 : i32
    %mul3A_0 = arith.muli %arg0, %mul3A : i32
    %add3A = arith.addi %mul3A_0, %arg1 : i32
    %mul3A_1 = arith.constant 10000 : i32
    %mul3A_2 = arith.muli %add3A, %mul3A_1 : i32
    %mul3A_3 = arith.constant 625 : i32
    %mul3A_4 = arith.muli %arg1, %mul3A_3 : i32
    "tpu.region"() ({
      %run_scoped3A = tpu.sem_alloc : memref<!tpu.dma_semaphore, #tpu.memory_space<semaphore_mem>>
      %dma_start3A_43 = arith.constant 0 : i32
      %dma_start3A_44 = tpu.memref_slice %arg8[%mul3A_4, %dma_start3A_43] : memref<10000x144xf32, #tpu.memory_space<vmem_shared>> -> memref<625x144xf32, #tpu.memory_space<vmem_shared>>
      %dma_start3A_45 = arith.constant 0 : i32
      %dma_start3A_46 = tpu.memref_slice %arg4[%mul3A_4, %dma_start3A_45] : memref<10000x144xf32, #tpu.memory_space<hbm>> -> memref<625x144xf32, #tpu.memory_space<hbm>>
      tpu.enqueue_dma source(%dma_start3A_46 : memref<625x144xf32, #tpu.memory_space<hbm>>) target(%dma_start3A_44 : memref<625x144xf32, #tpu.memory_space<vmem_shared>>) target_semaphore(%run_scoped3A : memref<!tpu.dma_semaphore, #tpu.memory_space<semaphore_mem>>)
      %dma_wait3A = arith.constant 0 : i32
      %dma_wait3A_47 = tpu.memref_slice %arg8[%mul3A_4, %dma_wait3A] : memref<10000x144xf32, #tpu.memory_space<vmem_shared>> -> memref<625x144xf32, #tpu.memory_space<vmem_shared>>
      %dma_wait3A_48 = arith.constant 0 : i32
      %dma_wait3A_49 = tpu.memref_slice %arg4[%mul3A_4, %dma_wait3A_48] : memref<10000x144xf32, #tpu.memory_space<hbm>> -> memref<625x144xf32, #tpu.memory_space<hbm>>
      tpu.wait_dma2 semaphore(%run_scoped3A : memref<!tpu.dma_semaphore, #tpu.memory_space<semaphore_mem>>) src(%dma_wait3A_49 : memref<625x144xf32, #tpu.memory_space<hbm>>) dst(%dma_wait3A_47 : memref<625x144xf32, #tpu.memory_space<vmem_shared>>)
      tpu.yield
    }) : () -> ()
    %barrier3A = arith.constant 0 : index
    tpu.barrier barrier_id(%barrier3A)
    %add3A_5 = arith.constant 0 : i32
    %add3A_6 = arith.addi %mul3A_2, %add3A_5 : i32
    %dma_start3A = arith.constant 0 : i32
    %dma_start3A_7 = arith.constant 0 : i32
    %dma_start3A_8 = arith.constant 0 : i32
    %dma_start3A_9 = arith.constant 0 : i32
    %dma_start3A_10 = tpu.memref_slice %arg6[%dma_start3A_7, %dma_start3A_9] : memref<2x80xi32, #tpu.memory_space<vmem>> -> memref<1x80xi32, #tpu.memory_space<vmem>>
    %dma_start3A_11 = tpu.memref_squeeze %dma_start3A_10 : memref<1x80xi32, #tpu.memory_space<vmem>> -> memref<80xi32, #tpu.memory_space<vmem>>
    %dma_start3A_12 = tpu.memref_slice %arg3[%dma_start3A, %add3A_6] : memref<2x320000xi32, #tpu.memory_space<hbm>> -> memref<1x80xi32, #tpu.memory_space<hbm>>
    %dma_start3A_13 = tpu.memref_squeeze %dma_start3A_12 : memref<1x80xi32, #tpu.memory_space<hbm>> -> memref<80xi32, #tpu.memory_space<hbm>>
    %dma_start3A_14 = tpu.memref_slice %arg9[%dma_start3A_8] : memref<2x!tpu.dma_semaphore, #tpu.memory_space<semaphore_mem>> -> memref<1x!tpu.dma_semaphore, #tpu.memory_space<semaphore_mem>>
    %dma_start3A_15 = tpu.memref_squeeze %dma_start3A_14 : memref<1x!tpu.dma_semaphore, #tpu.memory_space<semaphore_mem>> -> memref<!tpu.dma_semaphore, #tpu.memory_space<semaphore_mem>>
    %dma_start3A_16 = arith.constant 0 : i32
    %dma_start3A_17 = tpu.memref_slice %arg6[%dma_start3A_7, %dma_start3A_16] : memref<2x80xi32, #tpu.memory_space<vmem>> -> memref<1x80xi32, #tpu.memory_space<vmem>>
    %dma_start3A_18 = tpu.memref_squeeze %dma_start3A_17 : memref<1x80xi32, #tpu.memory_space<vmem>> -> memref<80xi32, #tpu.memory_space<vmem>>
    %dma_start3A_19 = tpu.memref_slice %arg3[%dma_start3A, %add3A_6] : memref<2x320000xi32, #tpu.memory_space<hbm>> -> memref<1x80xi32, #tpu.memory_space<hbm>>
    %dma_start3A_20 = tpu.memref_squeeze %dma_start3A_19 : memref<1x80xi32, #tpu.memory_space<hbm>> -> memref<80xi32, #tpu.memory_space<hbm>>
    tpu.enqueue_dma source(%dma_start3A_20 : memref<80xi32, #tpu.memory_space<hbm>>) target(%dma_start3A_18 : memref<80xi32, #tpu.memory_space<vmem>>) target_semaphore(%dma_start3A_15 : memref<!tpu.dma_semaphore, #tpu.memory_space<semaphore_mem>>)
    %dma_start3A_21 = arith.constant 0 : i32
    %dma_start3A_22 = arith.constant 0 : i32
    %dma_start3A_23 = arith.constant 0 : i32
    %dma_start3A_24 = arith.constant 0 : i32
    %dma_start3A_25 = tpu.memref_slice %arg7[%dma_start3A_21, %dma_start3A_23, %dma_start3A_24] : memref<2x80x144xf32, #tpu.memory_space<vmem>> -> memref<1x80x144xf32, #tpu.memory_space<vmem>>
    %dma_start3A_26 = tpu.memref_squeeze %dma_start3A_25 : memref<1x80x144xf32, #tpu.memory_space<vmem>> -> memref<80x144xf32, #tpu.memory_space<vmem>>
    %dma_start3A_27 = arith.constant 0 : i32
    %dma_start3A_28 = tpu.memref_slice %arg2[%add3A_6, %dma_start3A_27] : memref<320000x144xf32, #tpu.memory_space<hbm>> -> memref<80x144xf32, #tpu.memory_space<hbm>>
    %dma_start3A_29 = tpu.memref_slice %arg10[%dma_start3A_22] : memref<2x!tpu.dma_semaphore, #tpu.memory_space<semaphore_mem>> -> memref<1x!tpu.dma_semaphore, #tpu.memory_space<semaphore_mem>>
    %dma_start3A_30 = tpu.memref_squeeze %dma_start3A_29 : memref<1x!tpu.dma_semaphore, #tpu.memory_space<semaphore_mem>> -> memref<!tpu.dma_semaphore, #tpu.memory_space<semaphore_mem>>
    %dma_start3A_31 = arith.constant 0 : i32
    %dma_start3A_32 = arith.constant 0 : i32
    %dma_start3A_33 = tpu.memref_slice %arg7[%dma_start3A_21, %dma_start3A_31, %dma_start3A_32] : memref<2x80x144xf32, #tpu.memory_space<vmem>> -> memref<1x80x144xf32, #tpu.memory_space<vmem>>
    %dma_start3A_34 = tpu.memref_squeeze %dma_start3A_33 : memref<1x80x144xf32, #tpu.memory_space<vmem>> -> memref<80x144xf32, #tpu.memory_space<vmem>>
    %dma_start3A_35 = arith.constant 0 : i32
    %dma_start3A_36 = tpu.memref_slice %arg2[%add3A_6, %dma_start3A_35] : memref<320000x144xf32, #tpu.memory_space<hbm>> -> memref<80x144xf32, #tpu.memory_space<hbm>>
    tpu.enqueue_dma source(%dma_start3A_36 : memref<80x144xf32, #tpu.memory_space<hbm>>) target(%dma_start3A_34 : memref<80x144xf32, #tpu.memory_space<vmem>>) target_semaphore(%dma_start3A_30 : memref<!tpu.dma_semaphore, #tpu.memory_space<semaphore_mem>>)
    %scan3A = arith.constant 0 : i32
    %scan3A_37 = arith.constant 0 : i32
    %scan3A_38 = arith.constant 125 : i32
    %scan3A_39 = arith.addi %scan3A_37, %scan3A_38 : i32
    %scan3A_40 = arith.constant 1 : i32
    scf.for %scan3A_43 = %scan3A_37 to %scan3A_39 step %scan3A_40  : i32 {
      %rem3A = arith.constant 2 : i32
      %rem3A_44 = arith.remsi %scan3A_43, %rem3A : i32
      %add3A_45 = arith.constant 1 : i32
      %add3A_46 = arith.addi %scan3A_43, %add3A_45 : i32
      %lt3A = arith.constant 125 : i32
      %lt3A_47 = arith.cmpi slt, %add3A_46, %lt3A : i32
      %convert_element_type3A = arith.extui %lt3A_47 : i1 to i32
      %cond3A = arith.constant 0 : i32
      %cond3A_48 = arith.cmpi ne, %convert_element_type3A, %cond3A : i32
      scf.if %cond3A_48 {
        %add3A_78 = arith.constant 1 : i32
        %add3A_79 = arith.addi %scan3A_43, %add3A_78 : i32
        %sub3A = arith.constant 1 : i32
        %sub3A_80 = arith.subi %sub3A, %rem3A_44 : i32
        %mul3A_81 = arith.constant 80 : i32
        %mul3A_82 = arith.muli %add3A_79, %mul3A_81 : i32
        %add3A_83 = arith.addi %mul3A_2, %mul3A_82 : i32
        %dma_start3A_84 = arith.constant 0 : i32
        %dma_start3A_85 = arith.constant 0 : i32
        %dma_start3A_86 = tpu.memref_slice %arg6[%sub3A_80, %dma_start3A_85] : memref<2x80xi32, #tpu.memory_space<vmem>> -> memref<1x80xi32, #tpu.memory_space<vmem>>
        %dma_start3A_87 = tpu.memref_squeeze %dma_start3A_86 : memref<1x80xi32, #tpu.memory_space<vmem>> -> memref<80xi32, #tpu.memory_space<vmem>>
        %dma_start3A_88 = tpu.memref_slice %arg3[%dma_start3A_84, %add3A_83] : memref<2x320000xi32, #tpu.memory_space<hbm>> -> memref<1x80xi32, #tpu.memory_space<hbm>>
        %dma_start3A_89 = tpu.memref_squeeze %dma_start3A_88 : memref<1x80xi32, #tpu.memory_space<hbm>> -> memref<80xi32, #tpu.memory_space<hbm>>
        %dma_start3A_90 = tpu.memref_slice %arg9[%sub3A_80] : memref<2x!tpu.dma_semaphore, #tpu.memory_space<semaphore_mem>> -> memref<1x!tpu.dma_semaphore, #tpu.memory_space<semaphore_mem>>
        %dma_start3A_91 = tpu.memref_squeeze %dma_start3A_90 : memref<1x!tpu.dma_semaphore, #tpu.memory_space<semaphore_mem>> -> memref<!tpu.dma_semaphore, #tpu.memory_space<semaphore_mem>>
        %dma_start3A_92 = arith.constant 0 : i32
        %dma_start3A_93 = tpu.memref_slice %arg6[%sub3A_80, %dma_start3A_92] : memref<2x80xi32, #tpu.memory_space<vmem>> -> memref<1x80xi32, #tpu.memory_space<vmem>>
        %dma_start3A_94 = tpu.memref_squeeze %dma_start3A_93 : memref<1x80xi32, #tpu.memory_space<vmem>> -> memref<80xi32, #tpu.memory_space<vmem>>
        %dma_start3A_95 = tpu.memref_slice %arg3[%dma_start3A_84, %add3A_83] : memref<2x320000xi32, #tpu.memory_space<hbm>> -> memref<1x80xi32, #tpu.memory_space<hbm>>
        %dma_start3A_96 = tpu.memref_squeeze %dma_start3A_95 : memref<1x80xi32, #tpu.memory_space<hbm>> -> memref<80xi32, #tpu.memory_space<hbm>>
        tpu.enqueue_dma source(%dma_start3A_96 : memref<80xi32, #tpu.memory_space<hbm>>) target(%dma_start3A_94 : memref<80xi32, #tpu.memory_space<vmem>>) target_semaphore(%dma_start3A_91 : memref<!tpu.dma_semaphore, #tpu.memory_space<semaphore_mem>>)
        %dma_start3A_97 = arith.constant 0 : i32
        %dma_start3A_98 = arith.constant 0 : i32
        %dma_start3A_99 = tpu.memref_slice %arg7[%sub3A_80, %dma_start3A_97, %dma_start3A_98] : memref<2x80x144xf32, #tpu.memory_space<vmem>> -> memref<1x80x144xf32, #tpu.memory_space<vmem>>
        %dma_start3A_100 = tpu.memref_squeeze %dma_start3A_99 : memref<1x80x144xf32, #tpu.memory_space<vmem>> -> memref<80x144xf32, #tpu.memory_space<vmem>>
        %dma_start3A_101 = arith.constant 0 : i32
        %dma_start3A_102 = tpu.memref_slice %arg2[%add3A_83, %dma_start3A_101] : memref<320000x144xf32, #tpu.memory_space<hbm>> -> memref<80x144xf32, #tpu.memory_space<hbm>>
        %dma_start3A_103 = tpu.memref_slice %arg10[%sub3A_80] : memref<2x!tpu.dma_semaphore, #tpu.memory_space<semaphore_mem>> -> memref<1x!tpu.dma_semaphore, #tpu.memory_space<semaphore_mem>>
        %dma_start3A_104 = tpu.memref_squeeze %dma_start3A_103 : memref<1x!tpu.dma_semaphore, #tpu.memory_space<semaphore_mem>> -> memref<!tpu.dma_semaphore, #tpu.memory_space<semaphore_mem>>
        %dma_start3A_105 = arith.constant 0 : i32
        %dma_start3A_106 = arith.constant 0 : i32
        %dma_start3A_107 = tpu.memref_slice %arg7[%sub3A_80, %dma_start3A_105, %dma_start3A_106] : memref<2x80x144xf32, #tpu.memory_space<vmem>> -> memref<1x80x144xf32, #tpu.memory_space<vmem>>
        %dma_start3A_108 = tpu.memref_squeeze %dma_start3A_107 : memref<1x80x144xf32, #tpu.memory_space<vmem>> -> memref<80x144xf32, #tpu.memory_space<vmem>>
        %dma_start3A_109 = arith.constant 0 : i32
        %dma_start3A_110 = tpu.memref_slice %arg2[%add3A_83, %dma_start3A_109] : memref<320000x144xf32, #tpu.memory_space<hbm>> -> memref<80x144xf32, #tpu.memory_space<hbm>>
        tpu.enqueue_dma source(%dma_start3A_110 : memref<80x144xf32, #tpu.memory_space<hbm>>) target(%dma_start3A_108 : memref<80x144xf32, #tpu.memory_space<vmem>>) target_semaphore(%dma_start3A_104 : memref<!tpu.dma_semaphore, #tpu.memory_space<semaphore_mem>>)
      } else {
      }
      %mul3A_49 = arith.constant 80 : i32
      %mul3A_50 = arith.muli %scan3A_43, %mul3A_49 : i32
      %add3A_51 = arith.addi %mul3A_2, %mul3A_50 : i32
      %dma_wait3A = arith.constant 0 : i32
      %dma_wait3A_52 = arith.constant 0 : i32
      %dma_wait3A_53 = tpu.memref_slice %arg6[%rem3A_44, %dma_wait3A_52] : memref<2x80xi32, #tpu.memory_space<vmem>> -> memref<1x80xi32, #tpu.memory_space<vmem>>
      %dma_wait3A_54 = tpu.memref_squeeze %dma_wait3A_53 : memref<1x80xi32, #tpu.memory_space<vmem>> -> memref<80xi32, #tpu.memory_space<vmem>>
      %dma_wait3A_55 = tpu.memref_slice %arg3[%dma_wait3A, %add3A_51] : memref<2x320000xi32, #tpu.memory_space<hbm>> -> memref<1x80xi32, #tpu.memory_space<hbm>>
      %dma_wait3A_56 = tpu.memref_squeeze %dma_wait3A_55 : memref<1x80xi32, #tpu.memory_space<hbm>> -> memref<80xi32, #tpu.memory_space<hbm>>
      %dma_wait3A_57 = tpu.memref_slice %arg9[%rem3A_44] : memref<2x!tpu.dma_semaphore, #tpu.memory_space<semaphore_mem>> -> memref<1x!tpu.dma_semaphore, #tpu.memory_space<semaphore_mem>>
      %dma_wait3A_58 = tpu.memref_squeeze %dma_wait3A_57 : memref<1x!tpu.dma_semaphore, #tpu.memory_space<semaphore_mem>> -> memref<!tpu.dma_semaphore, #tpu.memory_space<semaphore_mem>>
      %dma_wait3A_59 = arith.constant 0 : i32
      %dma_wait3A_60 = tpu.memref_slice %arg6[%rem3A_44, %dma_wait3A_59] : memref<2x80xi32, #tpu.memory_space<vmem>> -> memref<1x80xi32, #tpu.memory_space<vmem>>
      %dma_wait3A_61 = tpu.memref_squeeze %dma_wait3A_60 : memref<1x80xi32, #tpu.memory_space<vmem>> -> memref<80xi32, #tpu.memory_space<vmem>>
      %dma_wait3A_62 = tpu.memref_slice %arg3[%dma_wait3A, %add3A_51] : memref<2x320000xi32, #tpu.memory_space<hbm>> -> memref<1x80xi32, #tpu.memory_space<hbm>>
      %dma_wait3A_63 = tpu.memref_squeeze %dma_wait3A_62 : memref<1x80xi32, #tpu.memory_space<hbm>> -> memref<80xi32, #tpu.memory_space<hbm>>
      tpu.wait_dma2 semaphore(%dma_wait3A_58 : memref<!tpu.dma_semaphore, #tpu.memory_space<semaphore_mem>>) src(%dma_wait3A_63 : memref<80xi32, #tpu.memory_space<hbm>>) dst(%dma_wait3A_61 : memref<80xi32, #tpu.memory_space<vmem>>)
      %dma_wait3A_64 = arith.constant 0 : i32
      %dma_wait3A_65 = arith.constant 0 : i32
      %dma_wait3A_66 = tpu.memref_slice %arg7[%rem3A_44, %dma_wait3A_64, %dma_wait3A_65] : memref<2x80x144xf32, #tpu.memory_space<vmem>> -> memref<1x80x144xf32, #tpu.memory_space<vmem>>
      %dma_wait3A_67 = tpu.memref_squeeze %dma_wait3A_66 : memref<1x80x144xf32, #tpu.memory_space<vmem>> -> memref<80x144xf32, #tpu.memory_space<vmem>>
      %dma_wait3A_68 = arith.constant 0 : i32
      %dma_wait3A_69 = tpu.memref_slice %arg2[%add3A_51, %dma_wait3A_68] : memref<320000x144xf32, #tpu.memory_space<hbm>> -> memref<80x144xf32, #tpu.memory_space<hbm>>
      %dma_wait3A_70 = tpu.memref_slice %arg10[%rem3A_44] : memref<2x!tpu.dma_semaphore, #tpu.memory_space<semaphore_mem>> -> memref<1x!tpu.dma_semaphore, #tpu.memory_space<semaphore_mem>>
      %dma_wait3A_71 = tpu.memref_squeeze %dma_wait3A_70 : memref<1x!tpu.dma_semaphore, #tpu.memory_space<semaphore_mem>> -> memref<!tpu.dma_semaphore, #tpu.memory_space<semaphore_mem>>
      %dma_wait3A_72 = arith.constant 0 : i32
      %dma_wait3A_73 = arith.constant 0 : i32
      %dma_wait3A_74 = tpu.memref_slice %arg7[%rem3A_44, %dma_wait3A_72, %dma_wait3A_73] : memref<2x80x144xf32, #tpu.memory_space<vmem>> -> memref<1x80x144xf32, #tpu.memory_space<vmem>>
      %dma_wait3A_75 = tpu.memref_squeeze %dma_wait3A_74 : memref<1x80x144xf32, #tpu.memory_space<vmem>> -> memref<80x144xf32, #tpu.memory_space<vmem>>
      %dma_wait3A_76 = arith.constant 0 : i32
      %dma_wait3A_77 = tpu.memref_slice %arg2[%add3A_51, %dma_wait3A_76] : memref<320000x144xf32, #tpu.memory_space<hbm>> -> memref<80x144xf32, #tpu.memory_space<hbm>>
      tpu.wait_dma2 semaphore(%dma_wait3A_71 : memref<!tpu.dma_semaphore, #tpu.memory_space<semaphore_mem>>) src(%dma_wait3A_77 : memref<80x144xf32, #tpu.memory_space<hbm>>) dst(%dma_wait3A_75 : memref<80x144xf32, #tpu.memory_space<vmem>>)
      "tpu.region"() ({
        %run_scoped3A = tpu.sem_alloc : memref<!tpu.dma_semaphore, #tpu.memory_space<semaphore_mem>>
        %dma_start3A_78 = arith.constant 0 : i32
        %dma_start3A_79 = arith.constant 0 : i32
        %dma_start3A_80 = tpu.memref_slice %arg7[%rem3A_44, %dma_start3A_78, %dma_start3A_79] : memref<2x80x144xf32, #tpu.memory_space<vmem>> -> memref<1x80x144xf32, #tpu.memory_space<vmem>>
        %dma_start3A_81 = tpu.memref_squeeze %dma_start3A_80 : memref<1x80x144xf32, #tpu.memory_space<vmem>> -> memref<80x144xf32, #tpu.memory_space<vmem>>
        %dma_start3A_82 = arith.constant 0 : i32
        %dma_start3A_83 = tpu.memref_slice %arg6[%rem3A_44, %dma_start3A_82] : memref<2x80xi32, #tpu.memory_space<vmem>> -> memref<1x80xi32, #tpu.memory_space<vmem>>
        %dma_start3A_84 = tpu.memref_squeeze %dma_start3A_83 : memref<1x80xi32, #tpu.memory_space<vmem>> -> memref<80xi32, #tpu.memory_space<vmem>>
        %dma_start3A_85 = arith.constant 0 : i32
        %dma_start3A_86 = arith.constant 0 : i32
        %dma_start3A_87 = tpu.memref_slice %arg8[%dma_start3A_85, %dma_start3A_86] : memref<10000x144xf32, #tpu.memory_space<vmem_shared>> -> memref<10000x144xf32, #tpu.memory_space<vmem_shared>>
        tpu.enqueue_indirect_dma source(%dma_start3A_81 : memref<80x144xf32, #tpu.memory_space<vmem>>) target(%dma_start3A_87 : memref<10000x144xf32, #tpu.memory_space<vmem_shared>>) offsets(%dma_start3A_84 : memref<80xi32, #tpu.memory_space<vmem>>) semaphore(%run_scoped3A : memref<!tpu.dma_semaphore, #tpu.memory_space<semaphore_mem>>) {add = true}
        %dma_wait3A_88 = arith.constant 0 : i32
        %dma_wait3A_89 = arith.constant 0 : i32
        %dma_wait3A_90 = tpu.memref_slice %arg7[%rem3A_44, %dma_wait3A_88, %dma_wait3A_89] : memref<2x80x144xf32, #tpu.memory_space<vmem>> -> memref<1x80x144xf32, #tpu.memory_space<vmem>>
        %dma_wait3A_91 = tpu.memref_squeeze %dma_wait3A_90 : memref<1x80x144xf32, #tpu.memory_space<vmem>> -> memref<80x144xf32, #tpu.memory_space<vmem>>
        %dma_wait3A_92 = arith.constant 0 : i32
        %dma_wait3A_93 = tpu.memref_slice %arg6[%rem3A_44, %dma_wait3A_92] : memref<2x80xi32, #tpu.memory_space<vmem>> -> memref<1x80xi32, #tpu.memory_space<vmem>>
        %dma_wait3A_94 = tpu.memref_squeeze %dma_wait3A_93 : memref<1x80xi32, #tpu.memory_space<vmem>> -> memref<80xi32, #tpu.memory_space<vmem>>
        %dma_wait3A_95 = arith.constant 0 : i32
        %dma_wait3A_96 = arith.constant 0 : i32
        %dma_wait3A_97 = tpu.memref_slice %arg8[%dma_wait3A_95, %dma_wait3A_96] : memref<10000x144xf32, #tpu.memory_space<vmem_shared>> -> memref<10000x144xf32, #tpu.memory_space<vmem_shared>>
        tpu.wait_indirect_dma semaphore(%run_scoped3A : memref<!tpu.dma_semaphore, #tpu.memory_space<semaphore_mem>>) src(%dma_wait3A_91 : memref<80x144xf32, #tpu.memory_space<vmem>>) dst(%dma_wait3A_97 : memref<10000x144xf32, #tpu.memory_space<vmem_shared>>)
        tpu.yield
      }) : () -> ()
    }
    %scan3A_41 = arith.constant 125 : i32
    %barrier3A_42 = arith.constant 0 : index
    tpu.barrier barrier_id(%barrier3A_42)
    "tpu.region"() ({
      %run_scoped3A = tpu.sem_alloc : memref<!tpu.dma_semaphore, #tpu.memory_space<semaphore_mem>>
      %dma_start3A_43 = arith.constant 0 : i32
      %dma_start3A_44 = tpu.memref_slice %arg5[%arg0, %mul3A_4, %dma_start3A_43] : memref<2x10000x144xf32, #tpu.memory_space<hbm>> -> memref<1x625x144xf32, #tpu.memory_space<hbm>>
      %dma_start3A_45 = tpu.memref_squeeze %dma_start3A_44 : memref<1x625x144xf32, #tpu.memory_space<hbm>> -> memref<625x144xf32, #tpu.memory_space<hbm>>
      %dma_start3A_46 = arith.constant 0 : i32
      %dma_start3A_47 = tpu.memref_slice %arg8[%mul3A_4, %dma_start3A_46] : memref<10000x144xf32, #tpu.memory_space<vmem_shared>> -> memref<625x144xf32, #tpu.memory_space<vmem_shared>>
      tpu.enqueue_dma source(%dma_start3A_47 : memref<625x144xf32, #tpu.memory_space<vmem_shared>>) target(%dma_start3A_45 : memref<625x144xf32, #tpu.memory_space<hbm>>) target_semaphore(%run_scoped3A : memref<!tpu.dma_semaphore, #tpu.memory_space<semaphore_mem>>)
      %dma_wait3A = arith.constant 0 : i32
      %dma_wait3A_48 = tpu.memref_slice %arg5[%arg0, %mul3A_4, %dma_wait3A] : memref<2x10000x144xf32, #tpu.memory_space<hbm>> -> memref<1x625x144xf32, #tpu.memory_space<hbm>>
      %dma_wait3A_49 = tpu.memref_squeeze %dma_wait3A_48 : memref<1x625x144xf32, #tpu.memory_space<hbm>> -> memref<625x144xf32, #tpu.memory_space<hbm>>
      %dma_wait3A_50 = arith.constant 0 : i32
      %dma_wait3A_51 = tpu.memref_slice %arg8[%mul3A_4, %dma_wait3A_50] : memref<10000x144xf32, #tpu.memory_space<vmem_shared>> -> memref<625x144xf32, #tpu.memory_space<vmem_shared>>
      tpu.wait_dma2 semaphore(%run_scoped3A : memref<!tpu.dma_semaphore, #tpu.memory_space<semaphore_mem>>) src(%dma_wait3A_51 : memref<625x144xf32, #tpu.memory_space<vmem_shared>>) dst(%dma_wait3A_49 : memref<625x144xf32, #tpu.memory_space<hbm>>)
      tpu.yield
    }) : () -> ()
    return
  }
}

module attributes {stable_mosaic.version = 14 : i64} {
  func.func @_prep_body(%arg0: i32, %arg1: memref<512x128xf32, #tpu.memory_space<vmem>>, %arg2: memref<512x16xf32, #tpu.memory_space<vmem>>, %arg3: memref<128x128xf32, #tpu.memory_space<vmem>>, %arg4: memref<128x128xf32, #tpu.memory_space<vmem>>, %arg5: memref<1x128xf32, #tpu.memory_space<vmem>>, %arg6: memref<512x144xf32, #tpu.memory_space<vmem>>, %arg7: memref<512x144xf32, #tpu.memory_space<vmem>>) attributes {dimension_semantics = [#tpu.dimension_semantics<arbitrary>], iteration_bounds = array<i64: 20>, scalar_prefetch = 0 : i64, scratch_operands = 0 : i64, tpu.core_type = #tpu.core_type<tc>, window_params = [{transform_indices = @transform_0, window_bounds = array<i64: 512, 128>}, {transform_indices = @transform_1, window_bounds = array<i64: 512, 16>}, {pipeline_mode = #tpu.pipeline_mode<synchronous>, transform_indices = @transform_2, window_bounds = array<i64: 128, 128>}, {pipeline_mode = #tpu.pipeline_mode<synchronous>, transform_indices = @transform_3, window_bounds = array<i64: 128, 128>}, {pipeline_mode = #tpu.pipeline_mode<synchronous>, transform_indices = @transform_4, window_bounds = array<i64: 1, 128>}, {transform_indices = @transform_5, window_bounds = array<i64: 512, 144>}, {transform_indices = @transform_6, window_bounds = array<i64: 512, 144>}]} {
    %get3A = arith.constant 0 : index
    %get3A_0 = arith.constant 0 : index
    %get3A_1 = vector.load %arg1[%get3A, %get3A_0] : memref<512x128xf32, #tpu.memory_space<vmem>>, vector<512x128xf32>
    %get3A_2 = arith.constant 0 : index
    %get3A_3 = arith.constant 0 : index
    %get3A_4 = vector.load %arg3[%get3A_2, %get3A_3] : memref<128x128xf32, #tpu.memory_space<vmem>>, vector<128x128xf32>
    %dot_general3A = arith.constant dense<0.000000e+00> : vector<512x128xf32>
    %dot_general3A_5 = tpu.matmul %get3A_1, %get3A_4, %dot_general3A {dimension_numbers = #tpu.dot_dimension_numbers<[1], [0], [0], [1], [0, 0, 1, 1], [], []>, transpose_lhs_hint = false} : vector<512x128xf32>, vector<128x128xf32>, vector<512x128xf32> -> vector<512x128xf32>
    %get3A_6 = arith.constant 0 : index
    %get3A_7 = arith.constant 0 : index
    %get3A_8 = vector.load %arg5[%get3A_6, %get3A_7] : memref<1x128xf32, #tpu.memory_space<vmem>>, vector<1x128xf32>
    %add3A = vector.broadcast %get3A_8 : vector<1x128xf32> to vector<512x128xf32>
    %add3A_9 = arith.addf %dot_general3A_5, %add3A : vector<512x128xf32>
    %swap3A = arith.constant 0 : index
    %swap3A_10 = arith.constant 0 : index
    %swap3A_11 = vector.load %arg6[%swap3A, %swap3A_10] : memref<512x144xf32, #tpu.memory_space<vmem>>, vector<512x128xf32>
    tpu.vector_store %arg6[%swap3A, %swap3A_10], %add3A_9 {strides = array<i32>} : memref<512x144xf32, #tpu.memory_space<vmem>>, vector<512x128xf32>,
    %get3A_12 = arith.constant 0 : index
    %get3A_13 = arith.constant 0 : index
    %get3A_14 = vector.load %arg2[%get3A_12, %get3A_13] : memref<512x16xf32, #tpu.memory_space<vmem>>, vector<512x16xf32>
    %swap3A_15 = arith.constant 0 : index
    %swap3A_16 = arith.constant 128 : index
    %swap3A_17 = vector.load %arg6[%swap3A_15, %swap3A_16] : memref<512x144xf32, #tpu.memory_space<vmem>>, vector<512x16xf32>
    tpu.vector_store %arg6[%swap3A_15, %swap3A_16], %get3A_14 {strides = array<i32>} : memref<512x144xf32, #tpu.memory_space<vmem>>, vector<512x16xf32>,
    %get3A_18 = arith.constant 0 : index
    %get3A_19 = arith.constant 0 : index
    %get3A_20 = vector.load %arg4[%get3A_18, %get3A_19] : memref<128x128xf32, #tpu.memory_space<vmem>>, vector<128x128xf32>
    %dot_general3A_21 = arith.constant dense<0.000000e+00> : vector<512x128xf32>
    %dot_general3A_22 = tpu.matmul %get3A_1, %get3A_20, %dot_general3A_21 {dimension_numbers = #tpu.dot_dimension_numbers<[1], [0], [0], [1], [0, 0, 1, 1], [], []>, transpose_lhs_hint = false} : vector<512x128xf32>, vector<128x128xf32>, vector<512x128xf32> -> vector<512x128xf32>
    %swap3A_23 = arith.constant 0 : index
    %swap3A_24 = arith.constant 0 : index
    %swap3A_25 = vector.load %arg7[%swap3A_23, %swap3A_24] : memref<512x144xf32, #tpu.memory_space<vmem>>, vector<512x128xf32>
    tpu.vector_store %arg7[%swap3A_23, %swap3A_24], %dot_general3A_22 {strides = array<i32>} : memref<512x144xf32, #tpu.memory_space<vmem>>, vector<512x128xf32>,
    %get3A_26 = arith.constant 0 : index
    %get3A_27 = arith.constant 0 : index
    %get3A_28 = vector.load %arg2[%get3A_26, %get3A_27] : memref<512x16xf32, #tpu.memory_space<vmem>>, vector<512x16xf32>
    %swap3A_29 = arith.constant 0 : index
    %swap3A_30 = arith.constant 128 : index
    %swap3A_31 = vector.load %arg7[%swap3A_29, %swap3A_30] : memref<512x144xf32, #tpu.memory_space<vmem>>, vector<512x16xf32>
    tpu.vector_store %arg7[%swap3A_29, %swap3A_30], %get3A_28 {strides = array<i32>} : memref<512x144xf32, #tpu.memory_space<vmem>>, vector<512x16xf32>,
    return
  }
  func.func @transform_0(%arg0: i32) -> (i32, i32) {
    %c0_i32 = arith.constant 0 : i32
    %c0_i32_0 = arith.constant 0 : i32
    return %arg0, %c0_i32 : i32, i32
  }
  func.func @transform_1(%arg0: i32) -> (i32, i32) {
    %c0_i32 = arith.constant 0 : i32
    %c0_i32_0 = arith.constant 0 : i32
    return %arg0, %c0_i32 : i32, i32
  }
  func.func @transform_2(%arg0: i32) -> (i32, i32) {
    %c0_i32 = arith.constant 0 : i32
    %c0_i32_0 = arith.constant 0 : i32
    %c0_i32_1 = arith.constant 0 : i32
    return %c0_i32, %c0_i32_0 : i32, i32
  }
  func.func @transform_3(%arg0: i32) -> (i32, i32) {
    %c0_i32 = arith.constant 0 : i32
    %c0_i32_0 = arith.constant 0 : i32
    %c0_i32_1 = arith.constant 0 : i32
    return %c0_i32, %c0_i32_0 : i32, i32
  }
  func.func @transform_4(%arg0: i32) -> (i32, i32) {
    %c0_i32 = arith.constant 0 : i32
    %c0_i32_0 = arith.constant 0 : i32
    %c0_i32_1 = arith.constant 0 : i32
    return %c0_i32, %c0_i32_0 : i32, i32
  }
  func.func @transform_5(%arg0: i32) -> (i32, i32) {
    %c0_i32 = arith.constant 0 : i32
    %c0_i32_0 = arith.constant 0 : i32
    return %arg0, %c0_i32 : i32, i32
  }
  func.func @transform_6(%arg0: i32) -> (i32, i32) {
    %c0_i32 = arith.constant 0 : i32
    %c0_i32_0 = arith.constant 0 : i32
    return %arg0, %c0_i32 : i32, i32
  }
}

module attributes {stable_mosaic.version = 14 : i64} {
  func.func @_edge_body(%arg0: i32, %arg1: memref<2560x144xf32, #tpu.memory_space<vmem>>, %arg2: memref<2560x144xf32, #tpu.memory_space<vmem>>, %arg3: memref<2560x16xf32, #tpu.memory_space<vmem>>, %arg4: memref<16x128xf32, #tpu.memory_space<vmem>>, %arg5: memref<1x128xf32, #tpu.memory_space<vmem>>, %arg6: memref<128x128xf32, #tpu.memory_space<vmem>>, %arg7: memref<1x128xf32, #tpu.memory_space<vmem>>, %arg8: memref<128x128xf32, #tpu.memory_space<vmem>>, %arg9: memref<1x128xf32, #tpu.memory_space<vmem>>, %arg10: memref<128x1xf32, #tpu.memory_space<vmem>>, %arg11: memref<1x1xf32, #tpu.memory_space<vmem>>, %arg12: memref<2560x144xf32, #tpu.memory_space<vmem>>) attributes {dimension_semantics = [#tpu.dimension_semantics<arbitrary>], iteration_bounds = array<i64: 125>, scalar_prefetch = 0 : i64, scratch_operands = 0 : i64, tpu.core_type = #tpu.core_type<tc>, window_params = [{transform_indices = @transform_0, window_bounds = array<i64: 2560, 144>}, {transform_indices = @transform_1, window_bounds = array<i64: 2560, 144>}, {transform_indices = @transform_2, window_bounds = array<i64: 2560, 16>}, {pipeline_mode = #tpu.pipeline_mode<synchronous>, transform_indices = @transform_3, window_bounds = array<i64: 16, 128>}, {pipeline_mode = #tpu.pipeline_mode<synchronous>, transform_indices = @transform_4, window_bounds = array<i64: 1, 128>}, {pipeline_mode = #tpu.pipeline_mode<synchronous>, transform_indices = @transform_5, window_bounds = array<i64: 128, 128>}, {pipeline_mode = #tpu.pipeline_mode<synchronous>, transform_indices = @transform_6, window_bounds = array<i64: 1, 128>}, {pipeline_mode = #tpu.pipeline_mode<synchronous>, transform_indices = @transform_7, window_bounds = array<i64: 128, 128>}, {pipeline_mode = #tpu.pipeline_mode<synchronous>, transform_indices = @transform_8, window_bounds = array<i64: 1, 128>}, {pipeline_mode = #tpu.pipeline_mode<synchronous>, transform_indices = @transform_9, window_bounds = array<i64: 128, 1>}, {pipeline_mode = #tpu.pipeline_mode<synchronous>, transform_indices = @transform_10, window_bounds = array<i64: 1, 1>}, {transform_indices = @transform_11, window_bounds = array<i64: 2560, 144>}]} {
    %get3A = arith.constant 0 : index
    %get3A_0 = arith.constant 0 : index
    %get3A_1 = vector.load %arg1[%get3A, %get3A_0] : memref<2560x144xf32, #tpu.memory_space<vmem>>, vector<2560x144xf32>
    %get3A_2 = arith.constant 0 : index
    %get3A_3 = arith.constant 0 : index
    %get3A_4 = vector.load %arg2[%get3A_2, %get3A_3] : memref<2560x144xf32, #tpu.memory_space<vmem>>, vector<2560x144xf32>
    %slice3A = vector.extract_strided_slice %get3A_1 {offsets = [0, 128], sizes = [2560, 16], strides = [1, 1]} : vector<2560x144xf32> to vector<2560x16xf32>
    %slice3A_5 = vector.extract_strided_slice %get3A_4 {offsets = [0, 128], sizes = [2560, 16], strides = [1, 1]} : vector<2560x144xf32> to vector<2560x16xf32>
    %sub3A = arith.subf %slice3A, %slice3A_5 : vector<2560x16xf32>
    %mul3A = arith.mulf %sub3A, %sub3A : vector<2560x16xf32>
    %reduce_sum3A = arith.constant dense<0.000000e+00> : vector<2560xf32>
    %reduce_sum3A_6 = vector.multi_reduction <add>, %mul3A, %reduce_sum3A [1] : vector<2560x16xf32> to vector<2560xf32>
    %broadcast_in_dim3A = vector.shape_cast %reduce_sum3A_6 : vector<2560xf32> to vector<2560x1xf32>
    %slice3A_7 = vector.extract_strided_slice %get3A_1 {offsets = [0, 0], sizes = [2560, 128], strides = [1, 1]} : vector<2560x144xf32> to vector<2560x128xf32>
    %slice3A_8 = vector.extract_strided_slice %get3A_4 {offsets = [0, 0], sizes = [2560, 128], strides = [1, 1]} : vector<2560x144xf32> to vector<2560x128xf32>
    %add3A = arith.addf %slice3A_7, %slice3A_8 : vector<2560x128xf32>
    %get3A_9 = arith.constant 0 : index
    %get3A_10 = arith.constant 0 : index
    %get3A_11 = vector.load %arg5[%get3A_9, %get3A_10] : memref<1x128xf32, #tpu.memory_space<vmem>>, vector<1x128xf32>
    %mul3A_12 = vector.broadcast %broadcast_in_dim3A : vector<2560x1xf32> to vector<2560x128xf32>
    %mul3A_13 = vector.broadcast %get3A_11 : vector<1x128xf32> to vector<2560x128xf32>
    %mul3A_14 = arith.mulf %mul3A_12, %mul3A_13 : vector<2560x128xf32>
    %add3A_15 = arith.addf %add3A, %mul3A_14 : vector<2560x128xf32>
    %get3A_16 = arith.constant 0 : index
    %get3A_17 = arith.constant 0 : index
    %get3A_18 = vector.load %arg3[%get3A_16, %get3A_17] : memref<2560x16xf32, #tpu.memory_space<vmem>>, vector<2560x16xf32>
    %get3A_19 = arith.constant 0 : index
    %get3A_20 = arith.constant 0 : index
    %get3A_21 = vector.load %arg4[%get3A_19, %get3A_20] : memref<16x128xf32, #tpu.memory_space<vmem>>, vector<16x128xf32>
    %dot_general3A = arith.constant dense<0.000000e+00> : vector<2560x128xf32>
    %dot_general3A_22 = tpu.matmul %get3A_18, %get3A_21, %dot_general3A {dimension_numbers = #tpu.dot_dimension_numbers<[1], [0], [0], [1], [0, 0, 1, 1], [], []>, transpose_lhs_hint = false} : vector<2560x16xf32>, vector<16x128xf32>, vector<2560x128xf32> -> vector<2560x128xf32>
    %add3A_23 = arith.addf %add3A_15, %dot_general3A_22 : vector<2560x128xf32>
    %logistic3A = arith.negf %add3A_23 : vector<2560x128xf32>
    %logistic3A_24 = math.exp %logistic3A : vector<2560x128xf32>
    %logistic3A_25 = arith.constant 1.000000e+00 : f32
    %logistic3A_26 = vector.broadcast %logistic3A_25 : f32 to vector<2560x128xf32>
    %logistic3A_27 = arith.addf %logistic3A_26, %logistic3A_24 : vector<2560x128xf32>
    %logistic3A_28 = arith.divf %logistic3A_26, %logistic3A_27 : vector<2560x128xf32>
    %mul3A_29 = arith.mulf %add3A_23, %logistic3A_28 : vector<2560x128xf32>
    %get3A_30 = arith.constant 0 : index
    %get3A_31 = arith.constant 0 : index
    %get3A_32 = vector.load %arg6[%get3A_30, %get3A_31] : memref<128x128xf32, #tpu.memory_space<vmem>>, vector<128x128xf32>
    %dot_general3A_33 = arith.constant dense<0.000000e+00> : vector<2560x128xf32>
    %dot_general3A_34 = tpu.matmul %mul3A_29, %get3A_32, %dot_general3A_33 {dimension_numbers = #tpu.dot_dimension_numbers<[1], [0], [0], [1], [0, 0, 1, 1], [], []>, transpose_lhs_hint = false} : vector<2560x128xf32>, vector<128x128xf32>, vector<2560x128xf32> -> vector<2560x128xf32>
    %get3A_35 = arith.constant 0 : index
    %get3A_36 = arith.constant 0 : index
    %get3A_37 = vector.load %arg7[%get3A_35, %get3A_36] : memref<1x128xf32, #tpu.memory_space<vmem>>, vector<1x128xf32>
    %add3A_38 = vector.broadcast %get3A_37 : vector<1x128xf32> to vector<2560x128xf32>
    %add3A_39 = arith.addf %dot_general3A_34, %add3A_38 : vector<2560x128xf32>
    %logistic3A_40 = arith.negf %add3A_39 : vector<2560x128xf32>
    %logistic3A_41 = math.exp %logistic3A_40 : vector<2560x128xf32>
    %logistic3A_42 = arith.constant 1.000000e+00 : f32
    %logistic3A_43 = vector.broadcast %logistic3A_42 : f32 to vector<2560x128xf32>
    %logistic3A_44 = arith.addf %logistic3A_43, %logistic3A_41 : vector<2560x128xf32>
    %logistic3A_45 = arith.divf %logistic3A_43, %logistic3A_44 : vector<2560x128xf32>
    %mul3A_46 = arith.mulf %add3A_39, %logistic3A_45 : vector<2560x128xf32>
    %get3A_47 = arith.constant 0 : index
    %get3A_48 = arith.constant 0 : index
    %get3A_49 = vector.load %arg8[%get3A_47, %get3A_48] : memref<128x128xf32, #tpu.memory_space<vmem>>, vector<128x128xf32>
    %dot_general3A_50 = arith.constant dense<0.000000e+00> : vector<2560x128xf32>
    %dot_general3A_51 = tpu.matmul %mul3A_46, %get3A_49, %dot_general3A_50 {dimension_numbers = #tpu.dot_dimension_numbers<[1], [0], [0], [1], [0, 0, 1, 1], [], []>, transpose_lhs_hint = false} : vector<2560x128xf32>, vector<128x128xf32>, vector<2560x128xf32> -> vector<2560x128xf32>
    %get3A_52 = arith.constant 0 : index
    %get3A_53 = arith.constant 0 : index
    %get3A_54 = vector.load %arg9[%get3A_52, %get3A_53] : memref<1x128xf32, #tpu.memory_space<vmem>>, vector<1x128xf32>
    %add3A_55 = vector.broadcast %get3A_54 : vector<1x128xf32> to vector<2560x128xf32>
    %add3A_56 = arith.addf %dot_general3A_51, %add3A_55 : vector<2560x128xf32>
    %logistic3A_57 = arith.negf %add3A_56 : vector<2560x128xf32>
    %logistic3A_58 = math.exp %logistic3A_57 : vector<2560x128xf32>
    %logistic3A_59 = arith.constant 1.000000e+00 : f32
    %logistic3A_60 = vector.broadcast %logistic3A_59 : f32 to vector<2560x128xf32>
    %logistic3A_61 = arith.addf %logistic3A_60, %logistic3A_58 : vector<2560x128xf32>
    %logistic3A_62 = arith.divf %logistic3A_60, %logistic3A_61 : vector<2560x128xf32>
    %mul3A_63 = arith.mulf %add3A_56, %logistic3A_62 : vector<2560x128xf32>
    %get3A_64 = arith.constant 0 : index
    %get3A_65 = arith.constant 0 : index
    %get3A_66 = vector.load %arg10[%get3A_64, %get3A_65] : memref<128x1xf32, #tpu.memory_space<vmem>>, vector<128x1xf32>
    %dot_general3A_67 = arith.constant dense<0.000000e+00> : vector<2560x1xf32>
    %dot_general3A_68 = tpu.matmul %mul3A_63, %get3A_66, %dot_general3A_67 {dimension_numbers = #tpu.dot_dimension_numbers<[1], [0], [0], [1], [0, 0, 1, 1], [], []>, transpose_lhs_hint = false} : vector<2560x128xf32>, vector<128x1xf32>, vector<2560x1xf32> -> vector<2560x1xf32>
    %get3A_69 = arith.constant 0 : index
    %get3A_70 = arith.constant 0 : index
    %get3A_71 = vector.load %arg11[%get3A_69, %get3A_70] : memref<1x1xf32, #tpu.memory_space<vmem>>, vector<1x1xf32>
    %add3A_72 = vector.broadcast %get3A_71 : vector<1x1xf32> to vector<2560x1xf32>
    %add3A_73 = arith.addf %dot_general3A_68, %add3A_72 : vector<2560x1xf32>
    %mul3A_74 = vector.broadcast %add3A_73 : vector<2560x1xf32> to vector<2560x16xf32>
    %mul3A_75 = arith.mulf %sub3A, %mul3A_74 : vector<2560x16xf32>
    %jit3A = arith.constant -1.000000e+02 : f32
    %jit3A_76 = arith.constant 1.000000e+02 : f32
    %max3A = vector.broadcast %jit3A : f32 to vector<2560x16xf32>
    %max3A_77 = arith.maximumf %max3A, %mul3A_75 : vector<2560x16xf32>
    %min3A = vector.broadcast %jit3A_76 : f32 to vector<2560x16xf32>
    %min3A_78 = arith.minimumf %min3A, %max3A_77 : vector<2560x16xf32>
    %iota3A = tpu.iota {dimensions = array<i32: 1>} : vector<2560x16xi32>
    %eq3A = arith.constant 3 : i32
    %eq3A_79 = vector.broadcast %eq3A : i32 to vector<2560x16xi32>
    %eq3A_80 = arith.cmpi eq, %iota3A, %eq3A_79 : vector<2560x16xi32>
    %jit3A_81 = arith.constant 1.000000e+00 : f32
    %broadcast_in_dim3A_82 = vector.broadcast %jit3A_81 : f32 to vector<2560x16xf32>
    %select_n3A = arith.select %eq3A_80, %broadcast_in_dim3A_82, %min3A_78 : vector<2560x16xi1>, vector<2560x16xf32>
    %swap3A = arith.constant 0 : index
    %swap3A_83 = arith.constant 0 : index
    %swap3A_84 = vector.load %arg12[%swap3A, %swap3A_83] : memref<2560x144xf32, #tpu.memory_space<vmem>>, vector<2560x128xf32>
    tpu.vector_store %arg12[%swap3A, %swap3A_83], %mul3A_46 {strides = array<i32>} : memref<2560x144xf32, #tpu.memory_space<vmem>>, vector<2560x128xf32>,
    %swap3A_85 = arith.constant 0 : index
    %swap3A_86 = arith.constant 128 : index
    %swap3A_87 = vector.load %arg12[%swap3A_85, %swap3A_86] : memref<2560x144xf32, #tpu.memory_space<vmem>>, vector<2560x16xf32>
    tpu.vector_store %arg12[%swap3A_85, %swap3A_86], %select_n3A {strides = array<i32>} : memref<2560x144xf32, #tpu.memory_space<vmem>>, vector<2560x16xf32>,
    return
  }
  func.func @transform_0(%arg0: i32) -> (i32, i32) {
    %c0_i32 = arith.constant 0 : i32
    %c0_i32_0 = arith.constant 0 : i32
    return %arg0, %c0_i32 : i32, i32
  }
  func.func @transform_1(%arg0: i32) -> (i32, i32) {
    %c0_i32 = arith.constant 0 : i32
    %c0_i32_0 = arith.constant 0 : i32
    return %arg0, %c0_i32 : i32, i32
  }
  func.func @transform_2(%arg0: i32) -> (i32, i32) {
    %c0_i32 = arith.constant 0 : i32
    %c0_i32_0 = arith.constant 0 : i32
    return %arg0, %c0_i32 : i32, i32
  }
  func.func @transform_3(%arg0: i32) -> (i32, i32) {
    %c0_i32 = arith.constant 0 : i32
    %c0_i32_0 = arith.constant 0 : i32
    %c0_i32_1 = arith.constant 0 : i32
    return %c0_i32, %c0_i32_0 : i32, i32
  }
  func.func @transform_4(%arg0: i32) -> (i32, i32) {
    %c0_i32 = arith.constant 0 : i32
    %c0_i32_0 = arith.constant 0 : i32
    %c0_i32_1 = arith.constant 0 : i32
    return %c0_i32, %c0_i32_0 : i32, i32
  }
  func.func @transform_5(%arg0: i32) -> (i32, i32) {
    %c0_i32 = arith.constant 0 : i32
    %c0_i32_0 = arith.constant 0 : i32
    %c0_i32_1 = arith.constant 0 : i32
    return %c0_i32, %c0_i32_0 : i32, i32
  }
  func.func @transform_6(%arg0: i32) -> (i32, i32) {
    %c0_i32 = arith.constant 0 : i32
    %c0_i32_0 = arith.constant 0 : i32
    %c0_i32_1 = arith.constant 0 : i32
    return %c0_i32, %c0_i32_0 : i32, i32
  }
  func.func @transform_7(%arg0: i32) -> (i32, i32) {
    %c0_i32 = arith.constant 0 : i32
    %c0_i32_0 = arith.constant 0 : i32
    %c0_i32_1 = arith.constant 0 : i32
    return %c0_i32, %c0_i32_0 : i32, i32
  }
  func.func @transform_8(%arg0: i32) -> (i32, i32) {
    %c0_i32 = arith.constant 0 : i32
    %c0_i32_0 = arith.constant 0 : i32
    %c0_i32_1 = arith.constant 0 : i32
    return %c0_i32, %c0_i32_0 : i32, i32
  }
  func.func @transform_9(%arg0: i32) -> (i32, i32) {
    %c0_i32 = arith.constant 0 : i32
    %c0_i32_0 = arith.constant 0 : i32
    %c0_i32_1 = arith.constant 0 : i32
    return %c0_i32, %c0_i32_0 : i32, i32
  }
  func.func @transform_10(%arg0: i32) -> (i32, i32) {
    %c0_i32 = arith.constant 0 : i32
    %c0_i32_0 = arith.constant 0 : i32
    %c0_i32_1 = arith.constant 0 : i32
    return %c0_i32, %c0_i32_0 : i32, i32
  }
  func.func @transform_11(%arg0: i32) -> (i32, i32) {
    %c0_i32 = arith.constant 0 : i32
    %c0_i32_0 = arith.constant 0 : i32
    return %arg0, %c0_i32 : i32, i32
  }
}

module attributes {stable_mosaic.version = 14 : i64} {
  func.func @_node_body(%arg0: i32, %arg1: memref<512x128xf32, #tpu.memory_space<vmem>>, %arg2: memref<2x512x144xf32, #tpu.memory_space<vmem>>, %arg3: memref<512x3xf32, #tpu.memory_space<vmem>>, %arg4: memref<512x3xf32, #tpu.memory_space<vmem>>, %arg5: memref<128x128xf32, #tpu.memory_space<vmem>>, %arg6: memref<128x128xf32, #tpu.memory_space<vmem>>, %arg7: memref<1x128xf32, #tpu.memory_space<vmem>>, %arg8: memref<128x128xf32, #tpu.memory_space<vmem>>, %arg9: memref<1x128xf32, #tpu.memory_space<vmem>>, %arg10: memref<512x128xf32, #tpu.memory_space<vmem>>, %arg11: memref<512x3xf32, #tpu.memory_space<vmem>>, %arg12: memref<512x3xf32, #tpu.memory_space<vmem>>) attributes {dimension_semantics = [#tpu.dimension_semantics<arbitrary>], iteration_bounds = array<i64: 20>, scalar_prefetch = 0 : i64, scratch_operands = 0 : i64, tpu.core_type = #tpu.core_type<tc>, window_params = [{transform_indices = @transform_0, window_bounds = array<i64: 512, 128>}, {transform_indices = @transform_1, window_bounds = array<i64: 2, 512, 144>}, {transform_indices = @transform_2, window_bounds = array<i64: 512, 3>}, {transform_indices = @transform_3, window_bounds = array<i64: 512, 3>}, {pipeline_mode = #tpu.pipeline_mode<synchronous>, transform_indices = @transform_4, window_bounds = array<i64: 128, 128>}, {pipeline_mode = #tpu.pipeline_mode<synchronous>, transform_indices = @transform_5, window_bounds = array<i64: 128, 128>}, {pipeline_mode = #tpu.pipeline_mode<synchronous>, transform_indices = @transform_6, window_bounds = array<i64: 1, 128>}, {pipeline_mode = #tpu.pipeline_mode<synchronous>, transform_indices = @transform_7, window_bounds = array<i64: 128, 128>}, {pipeline_mode = #tpu.pipeline_mode<synchronous>, transform_indices = @transform_8, window_bounds = array<i64: 1, 128>}, {transform_indices = @transform_9, window_bounds = array<i64: 512, 128>}, {transform_indices = @transform_10, window_bounds = array<i64: 512, 3>}, {transform_indices = @transform_11, window_bounds = array<i64: 512, 3>}]} {
    %get3A = arith.constant 0 : index
    %get3A_0 = arith.constant 0 : index
    %get3A_1 = arith.constant 0 : index
    %get3A_2 = vector.load %arg2[%get3A, %get3A_0, %get3A_1] : memref<2x512x144xf32, #tpu.memory_space<vmem>>, vector<1x512x144xf32>
    %get3A_3 = vector.shape_cast %get3A_2 : vector<1x512x144xf32> to vector<512x144xf32>
    %get3A_4 = arith.constant 1 : index
    %get3A_5 = arith.constant 0 : index
    %get3A_6 = arith.constant 0 : index
    %get3A_7 = vector.load %arg2[%get3A_4, %get3A_5, %get3A_6] : memref<2x512x144xf32, #tpu.memory_space<vmem>>, vector<1x512x144xf32>
    %get3A_8 = vector.shape_cast %get3A_7 : vector<1x512x144xf32> to vector<512x144xf32>
    %add3A = arith.addf %get3A_3, %get3A_8 : vector<512x144xf32>
    %slice3A = vector.extract_strided_slice %add3A {offsets = [0, 0], sizes = [512, 128], strides = [1, 1]} : vector<512x144xf32> to vector<512x128xf32>
    %slice3A_9 = vector.extract_strided_slice %add3A {offsets = [0, 128], sizes = [512, 3], strides = [1, 1]} : vector<512x144xf32> to vector<512x3xf32>
    %slice3A_10 = vector.extract_strided_slice %add3A {offsets = [0, 131], sizes = [512, 1], strides = [1, 1]} : vector<512x144xf32> to vector<512x1xf32>
    %jit3A = arith.constant 1.000000e+00 : f32
    %max3A = vector.broadcast %jit3A : f32 to vector<512x1xf32>
    %max3A_11 = arith.maximumf %max3A, %slice3A_10 : vector<512x1xf32>
    %div3A = vector.broadcast %max3A_11 : vector<512x1xf32> to vector<512x3xf32>
    %div3A_12 = arith.divf %slice3A_9, %div3A : vector<512x3xf32>
    %get3A_13 = arith.constant 0 : index
    %get3A_14 = arith.constant 0 : index
    %get3A_15 = vector.load %arg4[%get3A_13, %get3A_14] : memref<512x3xf32, #tpu.memory_space<vmem>>, vector<512x3xf32>
    %mul3A = arith.constant 2.500000e-01 : f32
    %mul3A_16 = vector.broadcast %mul3A : f32 to vector<512x3xf32>
    %mul3A_17 = arith.mulf %div3A_12, %mul3A_16 : vector<512x3xf32>
    %add3A_18 = arith.addf %get3A_15, %mul3A_17 : vector<512x3xf32>
    %swap3A = arith.constant 0 : index
    %swap3A_19 = arith.constant 0 : index
    %swap3A_20 = vector.load %arg12[%swap3A, %swap3A_19] : memref<512x3xf32, #tpu.memory_space<vmem>>, vector<512x3xf32>
    tpu.vector_store %arg12[%swap3A, %swap3A_19], %add3A_18 {strides = array<i32>} : memref<512x3xf32, #tpu.memory_space<vmem>>, vector<512x3xf32>,
    %get3A_21 = arith.constant 0 : index
    %get3A_22 = arith.constant 0 : index
    %get3A_23 = vector.load %arg3[%get3A_21, %get3A_22] : memref<512x3xf32, #tpu.memory_space<vmem>>, vector<512x3xf32>
    %mul3A_24 = arith.constant 2.500000e-01 : f32
    %mul3A_25 = vector.broadcast %mul3A_24 : f32 to vector<512x3xf32>
    %mul3A_26 = arith.mulf %add3A_18, %mul3A_25 : vector<512x3xf32>
    %add3A_27 = arith.addf %get3A_23, %mul3A_26 : vector<512x3xf32>
    %swap3A_28 = arith.constant 0 : index
    %swap3A_29 = arith.constant 0 : index
    %swap3A_30 = vector.load %arg11[%swap3A_28, %swap3A_29] : memref<512x3xf32, #tpu.memory_space<vmem>>, vector<512x3xf32>
    tpu.vector_store %arg11[%swap3A_28, %swap3A_29], %add3A_27 {strides = array<i32>} : memref<512x3xf32, #tpu.memory_space<vmem>>, vector<512x3xf32>,
    %get3A_31 = arith.constant 0 : index
    %get3A_32 = arith.constant 0 : index
    %get3A_33 = vector.load %arg1[%get3A_31, %get3A_32] : memref<512x128xf32, #tpu.memory_space<vmem>>, vector<512x128xf32>
    %get3A_34 = arith.constant 0 : index
    %get3A_35 = arith.constant 0 : index
    %get3A_36 = vector.load %arg5[%get3A_34, %get3A_35] : memref<128x128xf32, #tpu.memory_space<vmem>>, vector<128x128xf32>
    %dot_general3A = arith.constant dense<0.000000e+00> : vector<512x128xf32>
    %dot_general3A_37 = tpu.matmul %get3A_33, %get3A_36, %dot_general3A {dimension_numbers = #tpu.dot_dimension_numbers<[1], [0], [0], [1], [0, 0, 1, 1], [], []>, transpose_lhs_hint = false} : vector<512x128xf32>, vector<128x128xf32>, vector<512x128xf32> -> vector<512x128xf32>
    %get3A_38 = arith.constant 0 : index
    %get3A_39 = arith.constant 0 : index
    %get3A_40 = vector.load %arg6[%get3A_38, %get3A_39] : memref<128x128xf32, #tpu.memory_space<vmem>>, vector<128x128xf32>
    %dot_general3A_41 = arith.constant dense<0.000000e+00> : vector<512x128xf32>
    %dot_general3A_42 = tpu.matmul %slice3A, %get3A_40, %dot_general3A_41 {dimension_numbers = #tpu.dot_dimension_numbers<[1], [0], [0], [1], [0, 0, 1, 1], [], []>, transpose_lhs_hint = false} : vector<512x128xf32>, vector<128x128xf32>, vector<512x128xf32> -> vector<512x128xf32>
    %add3A_43 = arith.addf %dot_general3A_37, %dot_general3A_42 : vector<512x128xf32>
    %get3A_44 = arith.constant 0 : index
    %get3A_45 = arith.constant 0 : index
    %get3A_46 = vector.load %arg7[%get3A_44, %get3A_45] : memref<1x128xf32, #tpu.memory_space<vmem>>, vector<1x128xf32>
    %add3A_47 = vector.broadcast %get3A_46 : vector<1x128xf32> to vector<512x128xf32>
    %add3A_48 = arith.addf %add3A_43, %add3A_47 : vector<512x128xf32>
    %logistic3A = arith.negf %add3A_48 : vector<512x128xf32>
    %logistic3A_49 = math.exp %logistic3A : vector<512x128xf32>
    %logistic3A_50 = arith.constant 1.000000e+00 : f32
    %logistic3A_51 = vector.broadcast %logistic3A_50 : f32 to vector<512x128xf32>
    %logistic3A_52 = arith.addf %logistic3A_51, %logistic3A_49 : vector<512x128xf32>
    %logistic3A_53 = arith.divf %logistic3A_51, %logistic3A_52 : vector<512x128xf32>
    %mul3A_54 = arith.mulf %add3A_48, %logistic3A_53 : vector<512x128xf32>
    %get3A_55 = arith.constant 0 : index
    %get3A_56 = arith.constant 0 : index
    %get3A_57 = vector.load %arg8[%get3A_55, %get3A_56] : memref<128x128xf32, #tpu.memory_space<vmem>>, vector<128x128xf32>
    %dot_general3A_58 = arith.constant dense<0.000000e+00> : vector<512x128xf32>
    %dot_general3A_59 = tpu.matmul %mul3A_54, %get3A_57, %dot_general3A_58 {dimension_numbers = #tpu.dot_dimension_numbers<[1], [0], [0], [1], [0, 0, 1, 1], [], []>, transpose_lhs_hint = false} : vector<512x128xf32>, vector<128x128xf32>, vector<512x128xf32> -> vector<512x128xf32>
    %add3A_60 = arith.addf %get3A_33, %dot_general3A_59 : vector<512x128xf32>
    %get3A_61 = arith.constant 0 : index
    %get3A_62 = arith.constant 0 : index
    %get3A_63 = vector.load %arg9[%get3A_61, %get3A_62] : memref<1x128xf32, #tpu.memory_space<vmem>>, vector<1x128xf32>
    %add3A_64 = vector.broadcast %get3A_63 : vector<1x128xf32> to vector<512x128xf32>
    %add3A_65 = arith.addf %add3A_60, %add3A_64 : vector<512x128xf32>
    %swap3A_66 = arith.constant 0 : index
    %swap3A_67 = arith.constant 0 : index
    %swap3A_68 = vector.load %arg10[%swap3A_66, %swap3A_67] : memref<512x128xf32, #tpu.memory_space<vmem>>, vector<512x128xf32>
    tpu.vector_store %arg10[%swap3A_66, %swap3A_67], %add3A_65 {strides = array<i32>} : memref<512x128xf32, #tpu.memory_space<vmem>>, vector<512x128xf32>,
    return
  }
  func.func @transform_0(%arg0: i32) -> (i32, i32) {
    %c0_i32 = arith.constant 0 : i32
    %c0_i32_0 = arith.constant 0 : i32
    return %arg0, %c0_i32 : i32, i32
  }
  func.func @transform_1(%arg0: i32) -> (i32, i32, i32) {
    %c0_i32 = arith.constant 0 : i32
    %c0_i32_0 = arith.constant 0 : i32
    %c0_i32_1 = arith.constant 0 : i32
    return %c0_i32, %arg0, %c0_i32_0 : i32, i32, i32
  }
  func.func @transform_2(%arg0: i32) -> (i32, i32) {
    %c0_i32 = arith.constant 0 : i32
    %c0_i32_0 = arith.constant 0 : i32
    return %arg0, %c0_i32 : i32, i32
  }
  func.func @transform_3(%arg0: i32) -> (i32, i32) {
    %c0_i32 = arith.constant 0 : i32
    %c0_i32_0 = arith.constant 0 : i32
    return %arg0, %c0_i32 : i32, i32
  }
  func.func @transform_4(%arg0: i32) -> (i32, i32) {
    %c0_i32 = arith.constant 0 : i32
    %c0_i32_0 = arith.constant 0 : i32
    %c0_i32_1 = arith.constant 0 : i32
    return %c0_i32, %c0_i32_0 : i32, i32
  }
  func.func @transform_5(%arg0: i32) -> (i32, i32) {
    %c0_i32 = arith.constant 0 : i32
    %c0_i32_0 = arith.constant 0 : i32
    %c0_i32_1 = arith.constant 0 : i32
    return %c0_i32, %c0_i32_0 : i32, i32
  }
  func.func @transform_6(%arg0: i32) -> (i32, i32) {
    %c0_i32 = arith.constant 0 : i32
    %c0_i32_0 = arith.constant 0 : i32
    %c0_i32_1 = arith.constant 0 : i32
    return %c0_i32, %c0_i32_0 : i32, i32
  }
  func.func @transform_7(%arg0: i32) -> (i32, i32) {
    %c0_i32 = arith.constant 0 : i32
    %c0_i32_0 = arith.constant 0 : i32
    %c0_i32_1 = arith.constant 0 : i32
    return %c0_i32, %c0_i32_0 : i32, i32
  }
  func.func @transform_8(%arg0: i32) -> (i32, i32) {
    %c0_i32 = arith.constant 0 : i32
    %c0_i32_0 = arith.constant 0 : i32
    %c0_i32_1 = arith.constant 0 : i32
    return %c0_i32, %c0_i32_0 : i32, i32
  }
  func.func @transform_9(%arg0: i32) -> (i32, i32) {
    %c0_i32 = arith.constant 0 : i32
    %c0_i32_0 = arith.constant 0 : i32
    return %arg0, %c0_i32 : i32, i32
  }
  func.func @transform_10(%arg0: i32) -> (i32, i32) {
    %c0_i32 = arith.constant 0 : i32
    %c0_i32_0 = arith.constant 0 : i32
    return %arg0, %c0_i32 : i32, i32
  }
  func.func @transform_11(%arg0: i32) -> (i32, i32) {
    %c0_i32 = arith.constant 0 : i32
    %c0_i32_0 = arith.constant 0 : i32
    return %arg0, %c0_i32 : i32, i32
  }
}

</mosaic_0001>

<sc_bundles>
// kernel: kernel.10.cloned.1.call-start
scs
__scs_entry_jumppad:
0x0: {  	(pc) =	sbr.rel $0x88, $3  }
0x1: {  	(tag) =	ssettag $0x0;
	lr =	simm.s32 $0x1  }
0x2: {  	[smem:$0x3F90] =	sst lr;
	_ =	strace $0xD0000000  }
0x3: {  	_ = 	snop  }
0x4: {  	_ = 	snop  }
0x5: {  	_ = 	snop  }
0x6: {  	_ = 	snop  }
0x7: {  	_ = 	snop  }
__scs_overlays_trampoline_lowered:
0x8: {  	[smem:$0x3F9F] =	sst s0  }
0x9: {  	[smem:$0x3FA0] =	sst s1  }
0xa: {  	[smem:$0x3FA1] =	sst s2  }
0xb: {  	[smem:$0x3FA2] =	sst s3  }
0xc: {  	[smem:$0x3FA3] =	sst s4  }
0xd: {  	[smem:$0x3FA4] =	sst s5  }
0xe: {  	[smem:$0x3FA5] =	sst s6  }
0xf: {  	[smem:$0x3FA6] =	sst s7  }
0x10: {  	[smem:$0x3FA7] =	sst s8  }
0x11: {  	[smem:$0x3FA8] =	sst s9;
	s0 =	simm.s32 @!p0 $0x0  }
0x12: {  	s1 =	sld [smem:$0x3F8E];
	s0 =	simm.s32 @p0 $0x1  }
0x13: {  	[smem:$0x3FA9] =	sst s0;
	s0 =	simm.s32 @!p1 $0x0  }
0x14: {  	s2 =	sld [smem:$0x3F8D];
	s0 =	simm.s32 @p1 $0x1  }
0x15: {  	[smem:$0x3FAA] =	sst s0;
	s0 =	simm.s32 @!p2 $0x0  }
0x16: {  	s3 =	sld [smem:$0x3FDB];
	s0 =	simm.s32 @p2 $0x1  }
0x17: {  	s4 =	simm.s32 $0x1BF5;
	[smem:$0x3FAC] =	sst s0  }
0x18: {  	s0 =	sld [smem:$0x3F8F];
	_ =	swait.ge [sflag:s4], $0x0  }
0x19: {  	s7 =	sld [smem:$0x3F90]  }
0x1a: {  	s8 =	sadd.s32 $0xFFFFE003, lr  }
0x1b: {  	s9 =	sadd.s32 $0xFFFFFEF7, lr;
	s5 =	simm.s32 $0xFFFFFFFF;
	p2 =	slt.u32 s8, $0xFFFFF086  }
0x1c: {  	p1 =	slt.u32 s9, $0xF7A;
	s5 =	simm.s32 @!p2 $0x0  }
0x1d: {  	s5 =	simm.s32 @p1 $0x1;
	p0 =	seq.s32 s7, s2  }
0x1e: {  	s7 =	smul.u32 @!p0 $0xF7A, s2;
	p2 =	seq.s32 @!p0 s5, $0x0  }
0x1f: {  	s9 =	smul.u32 $0xF7A, s1;
	s8 =	simm.s32 @!p0 $0x1BF5;
	p2 =	por !p2, p0  }
0x20: {  	[sflag:s8] =	ssyncset.s32 @!p0 $0xFFFFF086;
	s6 =	sadd.s32 @!p0 s3, s7;
	s7 =	simm.s32 @!p0 $0x108  }
0x21: {  	s3 =	sadd.s32 s3, s9;
	s6 =	sadd.s32 @!p0 $0x88, s6;
	s7 =	simm.s32 @p2 $0x1082  }
0x22: {  	[simem:s7], [sflag:s8] =	dma.local @!p0 [hbm:s6], $0xF7A  }
0x23: {  	s9 =	sor.u32 $0xD0000000, s2;
	s6 =	simm.s32 $0x108;
	_ =	swait.ge @!p0 [sflag:s8], $0x0  }
0x24: {  	s3 =	sadd.s32 $0x88, s3;
	s6 =	simm.s32 @!p1 $0x1082;
	[sflag:s4] =	ssyncset.s32 $0xFFFFF086  }
0x25: {  	[simem:s6], [sflag:s4] =	dma.local [hbm:s3], $0xF7A  }
0x26: {  	[smem:$0x3F90] =	sst s1;
	(tag) =	ssettag s2;
	_ =	strace s9  }
0x27: {  	s1 =	sld [smem:$0x3FA0]  }
0x28: {  	s2 =	sld [smem:$0x3FA1]  }
0x29: {  	s4 =	sld [smem:$0x3FA3]  }
0x2a: {  	p0 =	seq.s32 s5, $0x0;
	s5 =	sld [smem:$0x3FA4]  }
0x2b: {  	s6 =	sld [smem:$0x3FA5]  }
0x2c: {  	s7 =	sld [smem:$0x3FA6]  }
0x2d: {  	s3 =	simm.s32 $0x108;
	s8 =	sld [smem:$0x3FA7]  }
0x2e: {  	s3 =	simm.s32 @!p0 $0x1082;
	s9 =	sld [smem:$0x3FA8]  }
0x2f: {  	lr =	sadd.s32 s0, s3;
	s0 =	sld [smem:$0x3F9F]  }
0x30: {  	s3 =	sld [smem:$0x3FA2]  }
0x31: {  	[smem:$0x3FAB] =	sst s10  }
0x32: {  	s10 =	sld [smem:$0x3FA9];
	_ =	sdelay $0x3  }
0x33: {  	p0 =	seq.s32 s10, $0x1;
	s10 =	sld [smem:$0x3FAB];
	_ =	sdelay $0x3  }
0x34: {  	[smem:$0x3FAB] =	sst s10  }
0x35: {  	s10 =	sld [smem:$0x3FAA];
	_ =	sdelay $0x3  }
0x36: {  	p1 =	seq.s32 s10, $0x1;
	s10 =	sld [smem:$0x3FAB];
	_ =	sdelay $0x3  }
0x37: {  	[smem:$0x3FAB] =	sst s10  }
0x38: {  	s10 =	sld [smem:$0x3FAC]  }
0x39: {  	_ = 	snop;
	(pc) =	sbr.ind lr, $3  }
0x3a: {  	_ = 	snop  }
0x3b: {  	_ = 	snop  }
0x3c: {  	p2 =	seq.s32 s10, $0x1;
	s10 =	sld [smem:$0x3FAB]  }
0x3d: {  	_ =	shalt  }
0x3e: {  	_ =	shalt  }
0x3f: {  	_ =	shalt  }
0x40: {  	_ =	shalt  }
0x41: {  	_ =	shalt  }
0x42: {  	_ =	shalt  }
0x43: {  	_ =	shalt  }
0x44: {  	_ =	shalt  }
0x45: {  	_ =	shalt  }
0x46: {  	_ =	shalt  }
0x47: {  	_ =	shalt  }
0x48: {  	_ =	shalt  }
0x49: {  	_ =	shalt  }
0x4a: {  	_ =	shalt  }
0x4b: {  	_ =	shalt  }
0x4c: {  	_ =	shalt  }
0x4d: {  	_ =	shalt  }
0x4e: {  	_ =	shalt  }
0x4f: {  	_ =	shalt  }
0x50: {  	_ =	shalt  }
0x51: {  	_ =	shalt  }
0x52: {  	_ =	shalt  }
0x53: {  	_ =	shalt  }
0x54: {  	_ =	shalt  }
0x55: {  	_ =	shalt  }
0x56: {  	_ =	shalt  }
0x57: {  	_ =	shalt  }
0x58: {  	_ =	shalt  }
0x59: {  	_ =	shalt  }
0x5a: {  	_ =	shalt  }
0x5b: {  	_ =	shalt  }
0x5c: {  	_ =	shalt  }
0x5d: {  	_ =	shalt  }
0x5e: {  	_ =	shalt  }
0x5f: {  	_ =	shalt  }
0x60: {  	_ =	shalt  }
0x61: {  	_ =	shalt  }
0x62: {  	_ =	shalt  }
0x63: {  	_ =	shalt  }
0x64: {  	_ =	shalt  }
0x65: {  	_ =	shalt  }
0x66: {  	_ =	shalt  }
0x67: {  	_ =	shalt  }
0x68: {  	_ =	shalt  }
0x69: {  	_ =	shalt  }
0x6a: {  	_ =	shalt  }
0x6b: {  	_ =	shalt  }
0x6c: {  	_ =	shalt  }
0x6d: {  	_ =	shalt  }
0x6e: {  	_ =	shalt  }
0x6f: {  	_ =	shalt  }
0x70: {  	_ =	shalt  }
0x71: {  	_ =	shalt  }
0x72: {  	_ =	shalt  }
0x73: {  	_ =	shalt  }
0x74: {  	_ =	shalt  }
0x75: {  	_ =	shalt  }
0x76: {  	_ =	shalt  }
0x77: {  	_ =	shalt  }
0x78: {  	_ =	shalt  }
0x79: {  	_ =	shalt  }
0x7a: {  	_ =	shalt  }
0x7b: {  	_ =	shalt  }
0x7c: {  	_ =	shalt  }
0x7d: {  	_ =	shalt  }
0x7e: {  	_ =	shalt  }
0x7f: {  	_ =	shalt  }
0x80: {  	_ =	shalt  }
0x81: {  	_ =	shalt  }
0x82: {  	_ =	shalt  }
0x83: {  	_ =	shalt  }
0x84: {  	_ =	shalt  }
0x85: {  	_ =	shalt  }
0x86: {  	_ =	shalt  }
0x87: {  	_ =	shalt  }
.Lfunc_end0:
.L_simem_size_0:
called_computation.1_lowered:
.L_overlay_start_0:
0x88: {  	s2 =	sld [smem:$0x3FD9]  }
0x89: {  	s3 =	sld [smem:$0x3FFE];
	_ =	sdelay $0x1  }
0x8a: {  	s1 =	srdreg.scid  }
0x8b: {  	s0 =	sand.u32 $0x1, s1  }
0x8c: {  	s16 =	sshll.u32 s0, $0xA;
	s2 =	sadd.s32 s3, s2  }
0x8d: {  	s2 =	sadd.s32 s2, s16  }
0x8e: {  	[smem:$0x3FB7] =	sst s2  }
0x8f: {  	_ = 	snop  }
0x90: {  	(tm) =	ssettm $0x1  }
0x91: {  	s17 =	sld [smem:$0x3FFB];
	_ =	sdelay $0x3  }
0x92: {  	_ =	strace s17  }
0x93: {  	s2 =	sld [smem:$0x3FFC];
	_ =	sdelay $0x3  }
0x94: {  	_ =	strace s2  }
0x95: {  	s2 =	sld [smem:$0x3FFD];
	_ =	sdelay $0x3  }
0x96: {  	_ =	strace s2  }
0x97: {  	_ =	strace $0x8FFFFFFF  }
0x98: {  	s18 =	sld [smem:$0x3FDB];
	_ =	sdelay $0x1  }
0x99: {  	s19 =	simm.s32 $_scs_section_size  }
0x9a: {  	s4 =	simm.s32 $_size__tile_overlayer_lowered;
	s5 =	simm.s32 $_tile_overlayer_lowered  }
0x9b: {  	s22 =	simm.s32 $0x1BFF;
	s21 =	sshll.u32 s5, $0x1;
	s2 =	sadd.s32 s19, s18  }
0x9c: {  	s6 =	simm.s32 $0x0;
	s20 =	sshll.u32 s4, $0x1;
	s4 =	sadd.s32 s21, s2  }
0x9d: {  	[timem:s6], [sflag:s22] =	dma.local [hbm:s4], s20  }
0x9e: {  	_ =	swait.ge [sflag:s22], s20  }
0x9f: {  	s3 =	ssub.s32 $0x0, s20;
	[sflag:s22] =	ssyncset.done $0x0  }
0xa0: {  	[sflag:s22] =	ssyncadd.s32 s3;
	_ =	sdelay $0x1  }
0xa1: {  	s23 =	simm.s32 $0x1B8B  }
0xa2: {  	_ =	swait.ge [sflag:s23], $0x1  }
0xa3: {  	[sflag:s23] =	ssyncset.done $0x0  }
0xa4: {  	s25 =	simm.s32 $0x1B8E;
	s24 =	sld [smem:$0x3FFE];
	[sflag:s23] =	ssyncadd.s32 $0xFFFFFFFF  }
0xa5: {  	s26 =	simm.s32 $execute0_lowered;
	[smem:$0x3FD2] =	sst s25  }
0xa6: {  	s4 =	sshll.u32 s26, $0x1;
	_ =	strace $0x80000049;
	[dreg:$0x1] =	wrdreg $0xFFFFFFFF  }
0xa7: {  	s28 =	simm.s32 $_size_execute0_lowered;
	s2 =	sadd.s32 s2, s4;
	[dreg:$0x0] =	wrdreg $0x0  }
0xa8: {  	s4 =	sshll.u32 s28, $0x1;
	[dreg:$0x2] =	wrdreg s2  }
0xa9: {  	[dreg:$0x3] =	wrdreg s4  }
0xaa: {  	[dreg:$0x4] =	wrdreg $0xC0  }
0xab: {  	_ =	task [dreg:s6], $0x5FFFF  }
0xac: {  	[dreg:$0x1] =	wrdreg $0xFFFFFFFF  }
0xad: {  	[dreg:$0x0] =	wrdreg $0x60  }
0xae: {  	[dreg:$0x2] =	wrdreg s24  }
0xaf: {  	[dreg:$0x3] =	wrdreg $0x5AA00  }
0xb0: {  	[dreg:$0x4] =	wrdreg $0x9  }
0xb1: {  	_ =	task.clear_ibuf [dreg:s6], $0x5FFFF;
	_ =	strace $0x90000049  }
0xb2: {  	s29 =	simm.s32 $0x9;
	_ =	strace $0x8000004B  }
0xb3: {  	_ =	swait.ge [sflag:s29], $0x1  }
0xb4: {  	[sflag:s29] =	ssyncadd.s32 $0xFFFFFFFF  }
0xb5: {  	_ =	strace $0x9000004B  }
0xb6: {  	_ =	sfence  }
0xb7: {  	s30 =	sld [smem:$0x0];
	_ =	sdelay $0x2  }
0xb8: {  	s31 =	sshll.u32 s1, $0xD;
	s1 =	sshrl.u32 s1, $0x2  }
0xb9: {  	s3 =	sand.u32 $0x4000, s31;
	s1 =	sadd.s32 s1, s30  }
0xba: {  	s0 =	sor.u32 s3, s0;
	s1 =	sshll.u32 s1, $0x11  }
0xbb: {  	s0 =	sor.u32 s1, s0  }
0xbc: {  	s0 =	sadd.s32 $0x8F2B, s0  }
0xbd: {  	[sflag:s0] =	ssyncadd.remote.s32 $0x1  }
0xbe: {  	_ =	sfence.sel $0xFFFF  }
0xbf: {  	[dreg:$0x0] =	wrdreg $0xFFFFFFFF;
	(pc) =	sbr.abs _section_cstart, $3  }
0xc0: {  	[dreg:$0x1] =	wrdreg $0xFFFFFFFF  }
0xc1: {  	_ =	task.clear_ibuf [dreg:s6], $0x2FFFF;
	_ =	strace $0x9FFFFFFF  }
0xc2: {  	(tm) =	ssettm $0x7FFFFFFF  }
0xc3: {  	_ =	shalt  }
tec
execute0_lowered:
.L_overlay_start_1:
0x0: {  	(tag) =	ssettag $0x1  }
0x1: {  	s5 =	rddreg [dreg:$0x0]  }
0x2: {  	s2 =	rddreg [dreg:$0x1]  }
0x3: {  	s3 =	simm.s32 $0x0;
	s0 =	stileid.u32;
	s4 =	srdreg.scid  }
0x4: {  	s18 =	simm.s32 $0x3;
	s19 =	simm.s32 $0x0;
	s6 =	smul.u32 $0x15F90, s0  }
0x5: {  	[smem:$0x7FF] =	sst s3;
	s10 =	sadd.s32 $0xA0A800, s5;
	s16 =	smul.u32 $0x2BF20, s0  }
0x6: {  	s7 =	sand.u32 $0x1, s4;
	s4 =	sadd.s32 $0x32400, s5;
	s17 =	smul.u32 $0x2710, s0  }
0x7: {  	s26 =	sshll.u32 s0, $0x6;
	_ =	strace $0x8000004A;
	s9 =	smul.u32 $0x15F900, s7  }
0x8: {  	s11 =	sshll.u32 s7, $0x4;
	s12 =	ssub.s32 $0x2, s7;
	s25 =	smul.u32 $0x2BF200, s7  }
0x9: {  	s29 =	smul.u32 $0x27100, s7;
	s8 =	sshrl.u32 s6, $0x3;
	s11 =	sor.u32 s0, s11  }
0xa: {  	s14 =	sshrl.u32 s12, $0x1;
	s15 =	sadd.s32 s6, s2;
	s13 =	smul.u32 $0x2710, s11  }
0xb: {  	s8 =	sadd.s32 s8, s5;
	s9 =	sadd.s32 s6, s9;
	s11 =	smul.u32 $0x2BF20, s11  }
0xc: {  	s12 =	ssub.s32 s12, s14;
	s6 =	sor.u32 $0x1C05, s26;
	s30 =	sadd.s32 s25, s10  }
0xd: {  	s31 =	sadd.s32 s17, s29;
	s14 =	simm.s32 $0x5;
	s9 =	sshrl.u32 s9, $0x3  }
0xe: {  	s17 =	simm.s32 $0x1;
	s1 =	sadd.s32 $0x6400, s8;
	s9 =	sadd.s32 s9, s5  }
0xf: {  	[dreg:$0x3] =	wrdreg s1;
	s28 =	sshrl.u32 s13, $0x3;
	s8 =	sadd.s32 s10, s11  }
0x10: {  	s10 =	smax.u32 s12, $0x1;
	s11 =	sadd.s32 s16, s30;
	s12 =	sadd.s32 $0x50, s31  }
0x11: {  	s13 =	sshrl.u32 s15, $0x3;
	s15 =	simm.s32 $0xA0;
	s16 =	simm.s32 $0x50  }
0x12: {  	s7 =	sadd.s32 s4, s28;
	s9 =	sadd.s32 $0x45E00, s9;
	s11 =	sadd.s32 $0x5A0, s11  }
.LBB2_1:
0x13: {  	s0 =	rddreg [dreg:$0x3]  }
0x14: {  	[spmem:s13], [sflag:s6] =	dma.local [hbm:s0], $0x2BF2  }
0x15: {  	s21 =	sand.u32 $0x1, s3;
	_ =	swait.ge [sflag:s14], $0x2BF2  }
0x16: {  	s24 =	simm.s32 $0x1;
	s29 =	smul.u32 $0xB400, s21;
	[sflag:s14] =	ssyncset.done $0x0  }
0x17: {  	s20 =	sxor.u32 $0x1, s21;
	s28 =	smul.u32 $0x140, s21;
	[sflag:s14] =	ssyncadd.s32 $0xFFFFD40E  }
0x18: {  	s26 =	sshrl.u32 s12, $0x3;
	s22 =	smul.u32 $0xB400, s20;
	[bflag:$0x0] =	sbarrier.arrive $0xFFFF  }
0x19: {  	[tilespmem:s3], [sflag:$0x1] =	stream.linear.gather [hbm4b:s7+s3], $0x50, $0x38;
	[tilespmem:$0x1BA30] =	vst v63  }
0x1a: {  	s25 =	simm.s32 $0x2;
	s26 =	sadd.s32 s4, s26;
	s23 =	smul.u32 $0x140, s20  }
0x1b: {  	[tilespmem:s15], [sflag:$0x3] =	stream.linear.gather [hbm4b:s8+s3], $0x2D00, $0x38;
	[tilespmem:$0x1BA30] =	vst v63  }
0x1c: {  	s30 =	sadd.s32 $0x1, s20;
	s23 =	sshrl.u32 s23, $0x2;
	s22 =	sshrl.u32 s22, $0x2  }
0x1d: {  	[tilespmem:s23], [sflag:s30] =	stream.linear.gather [hbm4b:s26+s3], $0x50, $0x38;
	[tilespmem:$0x1BA30] =	vst v63  }
0x1e: {  	s20 =	sadd.s32 $0x3, s20;
	s22 =	sor.u32 $0xA0, s22;
	s30 =	sadd.s32 $0x1, s21  }
0x1f: {  	[tilespmem:s22], [sflag:s20] =	stream.linear.gather [hbm4b:s11+s3], $0x2D00, $0x38;
	[tilespmem:$0x1BA30] =	vst v63  }
0x20: {  	s23 =	sadd.s32 $0x50, s12;
	s26 =	sshrl.u32 s28, $0x2;
	_ =	swait.ge [sflag:s30], $0x50  }
0x21: {  	s28 =	sadd.s32 $0x3, s21;
	s21 =	sand.u32 $0x1, s24;
	[sflag:s30] =	ssyncset.done $0x0  }
0x22: {  	s24 =	sxor.u32 $0x1, s21;
	s20 =	sadd.s32 $0x5A0, s11;
	[sflag:s30] =	ssyncadd.s32 $0xFFFFFFB0  }
0x23: {  	s22 =	smul.u32 $0xB400, s21;
	s30 =	sshrl.u32 s29, $0x2;
	_ =	swait.ge [sflag:s28], $0x2D00  }
0x24: {  	s29 =	smul.u32 $0xB400, s24;
	s30 =	sor.u32 $0xA0, s30;
	[sflag:s28] =	ssyncset.done $0x0  }
.LBB2_2:
0x25: {  	s31 =	smul.u32 $0x140, s24;
	[sflag:s28] =	ssyncadd.s32 $0xFFFFD300  }
0x26: {  	s0 =	smov.u32 s25;
	s1 =	sadd.s32 $0x1, s25;
	s28 =	smov.u32 s20  }
0x27: {  	[spmem:s2] =	stream.indirect.scatter.add.f32 [tilespmem:s30], [sflag:$0x5], $0x90, s26, s16, $0xb8;
	[tilespmem:$0x1BA30] =	vst v63  }
0x28: {  	s29 =	sshrl.u32 s29, $0x2;
	s26 =	sshrl.u32 s31, $0x2;
	_ =	swait.ge [sflag:s14], $0x2D00  }
0x29: {  	s30 =	sshrl.u32 s23, $0x3;
	s31 =	smul.u32 $0x140, s21;
	[sflag:s14] =	ssyncset.done $0x0  }
0x2a: {  	s5 =	sadd.s32 $0x1, s24;
	s29 =	sor.u32 $0xA0, s29;
	[sflag:s14] =	ssyncadd.s32 $0xFFFFD300  }
0x2b: {  	p0 =	sne.s32 s25, $0x7B;
	s20 =	sadd.s32 $0x5A0, s20;
	s25 =	sadd.s32 s4, s30  }
0x2c: {  	[tilespmem:s26], [sflag:s5] =	stream.linear.gather [hbm4b:s25+s3], $0x50, $0x38;
	[tilespmem:$0x1BA30] =	vst v63  }
0x2d: {  	s23 =	sadd.s32 $0x50, s23;
	s5 =	sadd.s32 $0x3, s24;
	s24 =	sadd.s32 $0x1, s21  }
0x2e: {  	[tilespmem:s29], [sflag:s5] =	stream.linear.gather [hbm4b:s28+s3], $0x2D00, $0x38;
	[tilespmem:$0x1BA30] =	vst v63  }
.Ltmp0:
0x2f: {  	s26 =	sshrl.u32 s31, $0x2;
	_ =	swait.ge [sflag:s24], $0x50;
	(pc) =	sbr.rel @p0 .LBB2_2-.Ltmp0, $4  }
0x30: {  	s25 =	smov.u32 s1;
	s28 =	sadd.s32 $0x3, s21;
	[sflag:s24] =	ssyncset.done $0x0  }
0x31: {  	s21 =	sand.u32 $0x1, s0;
	s0 =	sshrl.u32 s22, $0x2;
	[sflag:s24] =	ssyncadd.s32 $0xFFFFFFB0  }
0x32: {  	s22 =	smul.u32 $0xB400, s21;
	s24 =	sxor.u32 $0x1, s21;
	_ =	swait.ge [sflag:s28], $0x2D00  }
0x33: {  	s30 =	sor.u32 $0xA0, s0;
	s29 =	smul.u32 $0xB400, s24;
	[sflag:s28] =	ssyncset.done $0x0  }
0x34: {  	[sflag:s28] =	ssyncadd.s32 $0xFFFFD300  }
0x35: {  	[spmem:s2] =	stream.indirect.scatter.add.f32 [tilespmem:s30], [sflag:$0x5], $0x90, s26, s16, $0xb8;
	[tilespmem:$0x1BA30] =	vst v63  }
0x36: {  	s0 =	smul.u32 $0x140, s24;
	s5 =	sshrl.u32 s23, $0x3;
	_ =	swait.ge [sflag:s14], $0x2D00  }
0x37: {  	s31 =	sadd.s32 $0x1, s24;
	s1 =	sshrl.u32 s29, $0x2;
	[sflag:s14] =	ssyncset.done $0x0  }
0x38: {  	s5 =	sadd.s32 s4, s5;
	s0 =	sshrl.u32 s0, $0x2;
	[sflag:s14] =	ssyncadd.s32 $0xFFFFD300  }
0x39: {  	[tilespmem:s0], [sflag:s31] =	stream.linear.gather [hbm4b:s5+s3], $0x50, $0x38;
	[tilespmem:$0x1BA30] =	vst v63  }
0x3a: {  	s28 =	sadd.s32 $0x1, s21;
	s26 =	sadd.s32 $0x3, s24;
	s25 =	sor.u32 $0xA0, s1  }
0x3b: {  	[tilespmem:s25], [sflag:s26] =	stream.linear.gather [hbm4b:s20+s3], $0x2D00, $0x38;
	[tilespmem:$0x1BA30] =	vst v63  }
0x3c: {  	_ =	swait.ge [sflag:s28], $0x50  }
0x3d: {  	[sflag:s28] =	ssyncset.done $0x0  }
0x3e: {  	s29 =	sadd.s32 $0x3, s21;
	[sflag:s28] =	ssyncadd.s32 $0xFFFFFFB0  }
0x3f: {  	s30 =	smul.u32 $0x140, s21;
	_ =	swait.ge [sflag:s29], $0x2D00  }
0x40: {  	s31 =	sshrl.u32 s22, $0x2;
	[sflag:s29] =	ssyncset.done $0x0  }
0x41: {  	s1 =	sshrl.u32 s30, $0x2;
	s5 =	sor.u32 $0xA0, s31;
	[sflag:s29] =	ssyncadd.s32 $0xFFFFD300  }
0x42: {  	[spmem:s2] =	stream.indirect.scatter.add.f32 [tilespmem:s5], [sflag:$0x5], $0x90, s1, s16, $0xb8;
	[tilespmem:$0x1BA30] =	vst v63  }
0x43: {  	_ =	swait.ge [sflag:s14], $0x2D00  }
0x44: {  	[sflag:s14] =	ssyncset.done $0x0  }
0x45: {  	[sflag:s14] =	ssyncadd.s32 $0xFFFFD300  }
0x46: {  	_ =	swait.ge [sflag:s17], $0x50  }
0x47: {  	[sflag:s17] =	ssyncset.done $0x0  }
0x48: {  	[sflag:s17] =	ssyncadd.s32 $0xFFFFFFB0  }
0x49: {  	_ =	swait.ge [sflag:s18], $0x2D00  }
0x4a: {  	[sflag:s18] =	ssyncset.done $0x0  }
0x4b: {  	[sflag:s18] =	ssyncadd.s32 $0xFFFFD300  }
0x4c: {  	[spmem:s2] =	stream.indirect.scatter.add.f32 [tilespmem:s15], [sflag:$0x5], $0x90, s3, s16, $0xb8;
	[tilespmem:$0x1BA30] =	vst v63  }
0x4d: {  	_ =	swait.ge [sflag:s14], $0x2D00  }
0x4e: {  	s19 =	sadd.s32 $0x1, s19;
	[sflag:s14] =	ssyncset.done $0x0  }
0x4f: {  	p0 =	sne.s32 s19, s10;
	[sflag:s14] =	ssyncadd.s32 $0xFFFFD300  }
.Ltmp1:
0x50: {  	[bflag:$0x0] =	sbarrier.arrive $0xFFFF;
	(pc) =	sbr.rel @p0 .LBB2_1-.Ltmp1, $4  }
0x51: {  	[hbm:s9], [sflag:s6] =	dma.local [spmem:s13], $0x2BF2  }
0x52: {  	_ =	swait.ge [sflag:s14], $0x2BF2  }
0x53: {  	[sflag:s14] =	ssyncset.done $0x0  }
0x54: {  	[sflag:s14] =	ssyncadd.s32 $0xFFFFD40E  }
0x55: {  	_ =	sfence.sel $0x180000  }
0x56: {  	[bflag:$0x0] =	sbarrier.arrive $0xFFFF  }
0x57: {  	_ =	strace $0x9000004A  }
0x58: {  	s0 =	stileid.u32;
	[bflag:$0x2] =	sbarrier.arrive $0xFFFF  }
0x59: {  	p0 =	sne.s32 s0, $0x0;
	s0 =	rddreg [dreg:$0x2]  }
0x5a: {  	s0 =	sadd.s32 @!p0 $0x100000, s0  }
0x5b: {  	[sflag:s0] =	ssyncadd.tile.s32 @!p0 $0x1;
	_ =	shalt  }
.Lfunc_end2:
_tile_overlayer_lowered:
.L_overlay_start_2:
0x5c: {  	(tag) =	ssettag $0x2  }
0x5d: {  	s0 =	rddreg [dreg:$0x0];
	s2 =	stileid.u32  }
0x5e: {  	s1 =	rddreg [dreg:$0x1];
	p0 =	sne.s32 s2, $0x0  }
0x5f: {  	s3 =	rddreg [dreg:$0x2];
	[bflag:$0x3] =	sbarrier.arrive $0xFFFF;
	s2 =	simm.s32 @!p0 $0x1C05  }
0x60: {  	[timem:s3], [sflag:s2] =	dma.local @!p0 [hbm:s0], s1  }
0x61: {  	s0 =	simm.s32 @!p0 $0x5  }
0x62: {  	_ =	swait.ge @!p0 [sflag:s0], s1  }
0x63: {  	s1 =	ssub.s32 @!p0 $0x0, s1;
	[sflag:s0] =	ssyncset.done @!p0 $0x0  }
0x64: {  	[sflag:s0] =	ssyncadd.s32 @!p0 s1  }
0x65: {  	[bflag:$0x3] =	sbarrier.arrive $0xFFFF  }
0x66: {  	_ =	shalt  }

// kernel: kernel.7.cloned.1.call-start
scs
__scs_entry_jumppad:
0x0: {  	(pc) =	sbr.rel $0x88, $3  }
0x1: {  	(tag) =	ssettag $0x0;
	lr =	simm.s32 $0x1  }
0x2: {  	[smem:$0x3F90] =	sst lr;
	_ =	strace $0xD0000000  }
0x3: {  	_ = 	snop  }
0x4: {  	_ = 	snop  }
0x5: {  	_ = 	snop  }
0x6: {  	_ = 	snop  }
0x7: {  	_ = 	snop  }
__scs_overlays_trampoline_lowered:
0x8: {  	[smem:$0x3F9F] =	sst s0  }
0x9: {  	[smem:$0x3FA0] =	sst s1  }
0xa: {  	[smem:$0x3FA1] =	sst s2  }
0xb: {  	[smem:$0x3FA2] =	sst s3  }
0xc: {  	[smem:$0x3FA3] =	sst s4  }
0xd: {  	[smem:$0x3FA4] =	sst s5  }
0xe: {  	[smem:$0x3FA5] =	sst s6  }
0xf: {  	[smem:$0x3FA6] =	sst s7  }
0x10: {  	[smem:$0x3FA7] =	sst s8  }
0x11: {  	[smem:$0x3FA8] =	sst s9;
	s0 =	simm.s32 @!p0 $0x0  }
0x12: {  	s1 =	sld [smem:$0x3F8E];
	s0 =	simm.s32 @p0 $0x1  }
0x13: {  	[smem:$0x3FA9] =	sst s0;
	s0 =	simm.s32 @!p1 $0x0  }
0x14: {  	s2 =	sld [smem:$0x3F8D];
	s0 =	simm.s32 @p1 $0x1  }
0x15: {  	[smem:$0x3FAA] =	sst s0;
	s0 =	simm.s32 @!p2 $0x0  }
0x16: {  	s3 =	sld [smem:$0x3FDB];
	s0 =	simm.s32 @p2 $0x1  }
0x17: {  	s4 =	simm.s32 $0x1BF5;
	[smem:$0x3FAC] =	sst s0  }
0x18: {  	s0 =	sld [smem:$0x3F8F];
	_ =	swait.ge [sflag:s4], $0x0  }
0x19: {  	s7 =	sld [smem:$0x3F90]  }
0x1a: {  	s8 =	sadd.s32 $0xFFFFE003, lr  }
0x1b: {  	s9 =	sadd.s32 $0xFFFFFEF7, lr;
	s5 =	simm.s32 $0xFFFFFFFF;
	p2 =	slt.u32 s8, $0xFFFFF086  }
0x1c: {  	p1 =	slt.u32 s9, $0xF7A;
	s5 =	simm.s32 @!p2 $0x0  }
0x1d: {  	s5 =	simm.s32 @p1 $0x1;
	p0 =	seq.s32 s7, s2  }
0x1e: {  	s7 =	smul.u32 @!p0 $0xF7A, s2;
	p2 =	seq.s32 @!p0 s5, $0x0  }
0x1f: {  	s9 =	smul.u32 $0xF7A, s1;
	s8 =	simm.s32 @!p0 $0x1BF5;
	p2 =	por !p2, p0  }
0x20: {  	[sflag:s8] =	ssyncset.s32 @!p0 $0xFFFFF086;
	s6 =	sadd.s32 @!p0 s3, s7;
	s7 =	simm.s32 @!p0 $0x108  }
0x21: {  	s3 =	sadd.s32 s3, s9;
	s6 =	sadd.s32 @!p0 $0x88, s6;
	s7 =	simm.s32 @p2 $0x1082  }
0x22: {  	[simem:s7], [sflag:s8] =	dma.local @!p0 [hbm:s6], $0xF7A  }
0x23: {  	s9 =	sor.u32 $0xD0000000, s2;
	s6 =	simm.s32 $0x108;
	_ =	swait.ge @!p0 [sflag:s8], $0x0  }
0x24: {  	s3 =	sadd.s32 $0x88, s3;
	s6 =	simm.s32 @!p1 $0x1082;
	[sflag:s4] =	ssyncset.s32 $0xFFFFF086  }
0x25: {  	[simem:s6], [sflag:s4] =	dma.local [hbm:s3], $0xF7A  }
0x26: {  	[smem:$0x3F90] =	sst s1;
	(tag) =	ssettag s2;
	_ =	strace s9  }
0x27: {  	s1 =	sld [smem:$0x3FA0]  }
0x28: {  	s2 =	sld [smem:$0x3FA1]  }
0x29: {  	s4 =	sld [smem:$0x3FA3]  }
0x2a: {  	p0 =	seq.s32 s5, $0x0;
	s5 =	sld [smem:$0x3FA4]  }
0x2b: {  	s6 =	sld [smem:$0x3FA5]  }
0x2c: {  	s7 =	sld [smem:$0x3FA6]  }
0x2d: {  	s3 =	simm.s32 $0x108;
	s8 =	sld [smem:$0x3FA7]  }
0x2e: {  	s3 =	simm.s32 @!p0 $0x1082;
	s9 =	sld [smem:$0x3FA8]  }
0x2f: {  	lr =	sadd.s32 s0, s3;
	s0 =	sld [smem:$0x3F9F]  }
0x30: {  	s3 =	sld [smem:$0x3FA2]  }
0x31: {  	[smem:$0x3FAB] =	sst s10  }
0x32: {  	s10 =	sld [smem:$0x3FA9];
	_ =	sdelay $0x3  }
0x33: {  	p0 =	seq.s32 s10, $0x1;
	s10 =	sld [smem:$0x3FAB];
	_ =	sdelay $0x3  }
0x34: {  	[smem:$0x3FAB] =	sst s10  }
0x35: {  	s10 =	sld [smem:$0x3FAA];
	_ =	sdelay $0x3  }
0x36: {  	p1 =	seq.s32 s10, $0x1;
	s10 =	sld [smem:$0x3FAB];
	_ =	sdelay $0x3  }
0x37: {  	[smem:$0x3FAB] =	sst s10  }
0x38: {  	s10 =	sld [smem:$0x3FAC]  }
0x39: {  	_ = 	snop;
	(pc) =	sbr.ind lr, $3  }
0x3a: {  	_ = 	snop  }
0x3b: {  	_ = 	snop  }
0x3c: {  	p2 =	seq.s32 s10, $0x1;
	s10 =	sld [smem:$0x3FAB]  }
0x3d: {  	_ =	shalt  }
0x3e: {  	_ =	shalt  }
0x3f: {  	_ =	shalt  }
0x40: {  	_ =	shalt  }
0x41: {  	_ =	shalt  }
0x42: {  	_ =	shalt  }
0x43: {  	_ =	shalt  }
0x44: {  	_ =	shalt  }
0x45: {  	_ =	shalt  }
0x46: {  	_ =	shalt  }
0x47: {  	_ =	shalt  }
0x48: {  	_ =	shalt  }
0x49: {  	_ =	shalt  }
0x4a: {  	_ =	shalt  }
0x4b: {  	_ =	shalt  }
0x4c: {  	_ =	shalt  }
0x4d: {  	_ =	shalt  }
0x4e: {  	_ =	shalt  }
0x4f: {  	_ =	shalt  }
0x50: {  	_ =	shalt  }
0x51: {  	_ =	shalt  }
0x52: {  	_ =	shalt  }
0x53: {  	_ =	shalt  }
0x54: {  	_ =	shalt  }
0x55: {  	_ =	shalt  }
0x56: {  	_ =	shalt  }
0x57: {  	_ =	shalt  }
0x58: {  	_ =	shalt  }
0x59: {  	_ =	shalt  }
0x5a: {  	_ =	shalt  }
0x5b: {  	_ =	shalt  }
0x5c: {  	_ =	shalt  }
0x5d: {  	_ =	shalt  }
0x5e: {  	_ =	shalt  }
0x5f: {  	_ =	shalt  }
0x60: {  	_ =	shalt  }
0x61: {  	_ =	shalt  }
0x62: {  	_ =	shalt  }
0x63: {  	_ =	shalt  }
0x64: {  	_ =	shalt  }
0x65: {  	_ =	shalt  }
0x66: {  	_ =	shalt  }
0x67: {  	_ =	shalt  }
0x68: {  	_ =	shalt  }
0x69: {  	_ =	shalt  }
0x6a: {  	_ =	shalt  }
0x6b: {  	_ =	shalt  }
0x6c: {  	_ =	shalt  }
0x6d: {  	_ =	shalt  }
0x6e: {  	_ =	shalt  }
0x6f: {  	_ =	shalt  }
0x70: {  	_ =	shalt  }
0x71: {  	_ =	shalt  }
0x72: {  	_ =	shalt  }
0x73: {  	_ =	shalt  }
0x74: {  	_ =	shalt  }
0x75: {  	_ =	shalt  }
0x76: {  	_ =	shalt  }
0x77: {  	_ =	shalt  }
0x78: {  	_ =	shalt  }
0x79: {  	_ =	shalt  }
0x7a: {  	_ =	shalt  }
0x7b: {  	_ =	shalt  }
0x7c: {  	_ =	shalt  }
0x7d: {  	_ =	shalt  }
0x7e: {  	_ =	shalt  }
0x7f: {  	_ =	shalt  }
0x80: {  	_ =	shalt  }
0x81: {  	_ =	shalt  }
0x82: {  	_ =	shalt  }
0x83: {  	_ =	shalt  }
0x84: {  	_ =	shalt  }
0x85: {  	_ =	shalt  }
0x86: {  	_ =	shalt  }
0x87: {  	_ =	shalt  }
.Lfunc_end0:
.L_simem_size_0:
called_computation_lowered:
.L_overlay_start_0:
0x88: {  	s2 =	sld [smem:$0x3FD9]  }
0x89: {  	s3 =	sld [smem:$0x3FFE];
	_ =	sdelay $0x1  }
0x8a: {  	s1 =	srdreg.scid  }
0x8b: {  	s0 =	sand.u32 $0x1, s1  }
0x8c: {  	s16 =	sshll.u32 s0, $0xA;
	s2 =	sadd.s32 s3, s2  }
0x8d: {  	s2 =	sadd.s32 s2, s16  }
0x8e: {  	[smem:$0x3FB7] =	sst s2  }
0x8f: {  	_ = 	snop  }
0x90: {  	(tm) =	ssettm $0x1  }
0x91: {  	s17 =	sld [smem:$0x3FFB];
	_ =	sdelay $0x3  }
0x92: {  	_ =	strace s17  }
0x93: {  	s2 =	sld [smem:$0x3FFC];
	_ =	sdelay $0x3  }
0x94: {  	_ =	strace s2  }
0x95: {  	s2 =	sld [smem:$0x3FFD];
	_ =	sdelay $0x3  }
0x96: {  	_ =	strace s2  }
0x97: {  	_ =	strace $0x8FFFFFFF  }
0x98: {  	s18 =	sld [smem:$0x3FDB];
	_ =	sdelay $0x1  }
0x99: {  	s19 =	simm.s32 $_scs_section_size  }
0x9a: {  	s4 =	simm.s32 $_size__tile_overlayer_lowered;
	s5 =	simm.s32 $_tile_overlayer_lowered  }
0x9b: {  	s22 =	simm.s32 $0x1BFF;
	s21 =	sshll.u32 s5, $0x1;
	s2 =	sadd.s32 s19, s18  }
0x9c: {  	s6 =	simm.s32 $0x0;
	s20 =	sshll.u32 s4, $0x1;
	s4 =	sadd.s32 s21, s2  }
0x9d: {  	[timem:s6], [sflag:s22] =	dma.local [hbm:s4], s20  }
0x9e: {  	_ =	swait.ge [sflag:s22], s20  }
0x9f: {  	s3 =	ssub.s32 $0x0, s20;
	[sflag:s22] =	ssyncset.done $0x0  }
0xa0: {  	[sflag:s22] =	ssyncadd.s32 s3;
	_ =	sdelay $0x1  }
0xa1: {  	s23 =	simm.s32 $0x1B8B  }
0xa2: {  	_ =	swait.ge [sflag:s23], $0x1  }
0xa3: {  	[sflag:s23] =	ssyncset.done $0x0  }
0xa4: {  	s25 =	simm.s32 $0x1B8E;
	s24 =	sld [smem:$0x3FFE];
	[sflag:s23] =	ssyncadd.s32 $0xFFFFFFFF  }
0xa5: {  	s26 =	simm.s32 $execute0_lowered;
	[smem:$0x3FD2] =	sst s25  }
0xa6: {  	s4 =	sshll.u32 s26, $0x1;
	_ =	strace $0x80000046;
	[dreg:$0x1] =	wrdreg $0xFFFFFFFF  }
0xa7: {  	s28 =	simm.s32 $_size_execute0_lowered;
	s2 =	sadd.s32 s2, s4;
	[dreg:$0x0] =	wrdreg $0x0  }
0xa8: {  	s4 =	sshll.u32 s28, $0x1;
	[dreg:$0x2] =	wrdreg s2  }
0xa9: {  	[dreg:$0x3] =	wrdreg s4  }
0xaa: {  	[dreg:$0x4] =	wrdreg $0xC0  }
0xab: {  	_ =	task [dreg:s6], $0x5FFFF  }
0xac: {  	[dreg:$0x1] =	wrdreg $0xFFFFFFFF  }
0xad: {  	[dreg:$0x0] =	wrdreg $0x60  }
0xae: {  	[dreg:$0x2] =	wrdreg s24  }
0xaf: {  	[dreg:$0x3] =	wrdreg $0x9  }
0xb0: {  	_ =	task.clear_ibuf [dreg:s6], $0x4FFFF;
	_ =	strace $0x90000046  }
0xb1: {  	s29 =	simm.s32 $0x9;
	_ =	strace $0x80000048  }
0xb2: {  	_ =	swait.ge [sflag:s29], $0x1  }
0xb3: {  	[sflag:s29] =	ssyncadd.s32 $0xFFFFFFFF  }
0xb4: {  	_ =	strace $0x90000048  }
0xb5: {  	_ =	sfence  }
0xb6: {  	s30 =	sld [smem:$0x0];
	_ =	sdelay $0x2  }
0xb7: {  	s31 =	sshll.u32 s1, $0xD;
	s1 =	sshrl.u32 s1, $0x2  }
0xb8: {  	s3 =	sand.u32 $0x4000, s31;
	s1 =	sadd.s32 s1, s30  }
0xb9: {  	s0 =	sor.u32 s3, s0;
	s1 =	sshll.u32 s1, $0x11  }
0xba: {  	s0 =	sor.u32 s1, s0  }
0xbb: {  	s0 =	sadd.s32 $0x8F2B, s0  }
0xbc: {  	[sflag:s0] =	ssyncadd.remote.s32 $0x1  }
0xbd: {  	_ =	sfence.sel $0xFFFF  }
0xbe: {  	[dreg:$0x0] =	wrdreg $0xFFFFFFFF;
	(pc) =	sbr.abs _section_cstart, $3  }
0xbf: {  	[dreg:$0x1] =	wrdreg $0xFFFFFFFF  }
0xc0: {  	_ =	task.clear_ibuf [dreg:s6], $0x2FFFF;
	_ =	strace $0x9FFFFFFF  }
0xc1: {  	(tm) =	ssettm $0x7FFFFFFF  }
tec
execute0_lowered:
.L_overlay_start_1:
0x0: {  	(tag) =	ssettag $0x1  }
0x1: {  	s0 =	srdreg.scid  }
0x2: {  	s7 =	rddreg [dreg:$0x0];
	s2 =	simm.s32 $0x0;
	s15 =	simm.s32 $0xA820  }
0x3: {  	s16 =	simm.s32 $0x50;
	s17 =	simm.s32 $0x1;
	s18 =	simm.s32 $0x3  }
0x4: {  	s19 =	simm.s32 $0x0;
	s6 =	sand.u32 $0x1, s0;
	s0 =	stileid.u32  }
0x5: {  	[smem:$0x7FF] =	sst s2;
	s1 =	sshll.u32 s6, $0x4;
	s13 =	smul.u32 $0x2BF200, s6  }
0x6: {  	s4 =	sadd.s32 $0x54600, s7;
	s31 =	smul.u32 $0x2BF20, s0;
	s5 =	sor.u32 s0, s1  }
0x7: {  	s9 =	sadd.s32 $0x5FEA00, s7;
	s11 =	sadd.s32 $0x80600, s7;
	s3 =	smul.u32 $0x2710, s5  }
0x8: {  	_ =	strace $0x80000047;
	s10 =	ssub.s32 $0x2, s6;
	s12 =	smul.u32 $0x2BF20, s5  }
0x9: {  	s29 =	sshrl.u32 s10, $0x1;
	s14 =	sadd.s32 s13, s9;
	s3 =	sshrl.u32 s3, $0x3  }
0xa: {  	s30 =	sadd.s32 $0x2B980, s12;
	s12 =	simm.s32 $0x5;
	s8 =	sadd.s32 s3, s7  }
0xb: {  	s3 =	sadd.s32 $0x6400, s7;
	s7 =	ssub.s32 s10, s29;
	s10 =	sadd.s32 s31, s14  }
0xc: {  	s14 =	simm.s32 $0x4E20;
	s5 =	sadd.s32 $0x32400, s8;
	s6 =	sadd.s32 $0x3C040, s8  }
0xd: {  	s8 =	sadd.s32 s9, s30;
	s9 =	sadd.s32 s11, s30;
	s11 =	sadd.s32 s13, s11  }
0xe: {  	s7 =	smax.u32 s7, $0x1;
	s13 =	simm.s32 $0x2710;
	s11 =	sadd.s32 s31, s11  }
.LBB2_1:
0xf: {  	[tilespmem:s2], [sflag:$0x5] =	stream.linear.gather [hbm4b:s5+s2], $0x2710, $0x38;
	[tilespmem:$0x10220] =	vst v63  }
0x10: {  	_ =	swait.ge [sflag:s12], $0x2710  }
0x11: {  	[sflag:s12] =	ssyncset.done $0x0  }
0x12: {  	[sflag:s12] =	ssyncadd.s32 $0xFFFFD8F0  }
0x13: {  	[tilespmem:s13], [sflag:$0x5] =	stream.linear.gather [hbm4b:s6+s2], $0x2710, $0x38;
	[tilespmem:$0x10220] =	vst v63  }
0x14: {  	_ =	swait.ge [sflag:s12], $0x2710  }
0x15: {  	s20 =	sand.u32 $0x1, s2;
	[sflag:s12] =	ssyncset.done $0x0  }
0x16: {  	s21 =	sxor.u32 $0x1, s20;
	[sflag:s12] =	ssyncadd.s32 $0xFFFFD8F0  }
0x17: {  	[tilespmem:s14], [sflag:$0x1] =	stream.indirect.gather [hbm4b:s3+s16], $0x90, s2, s16, $0xb8;
	[tilespmem:$0x10220] =	vst v63  }
0x18: {  	s22 =	smul.u32 $0x2D00, s21  }
0x19: {  	[tilespmem:s15], [sflag:$0x3] =	stream.indirect.gather [hbm4b:s4+s16], $0x90, s13, s16, $0xb8;
	[tilespmem:$0x10220] =	vst v63  }
0x1a: {  	s23 =	simm.s32 $0x2760;
	s25 =	sadd.s32 $0x1, s21;
	s24 =	sadd.s32 $0x4E20, s22  }
0x1b: {  	[tilespmem:s24], [sflag:s25] =	stream.indirect.gather [hbm4b:s3+s16], $0x90, s16, s16, $0xb8;
	[tilespmem:$0x10220] =	vst v63  }
0x1c: {  	s21 =	sadd.s32 $0x3, s21;
	s22 =	sadd.s32 $0xA820, s22;
	s25 =	sadd.s32 $0x1, s20  }
0x1d: {  	[tilespmem:s22], [sflag:s21] =	stream.indirect.gather [hbm4b:s4+s16], $0x90, s23, s16, $0xb8;
	[tilespmem:$0x10220] =	vst v63  }
0x1e: {  	_ =	swait.ge [sflag:s25], $0x2D00  }
0x1f: {  	[sflag:s25] =	ssyncset.done $0x0  }
0x20: {  	s26 =	sadd.s32 $0x3, s20;
	[sflag:s25] =	ssyncadd.s32 $0xFFFFD300  }
0x21: {  	s20 =	smul.u32 $0x2D00, s20;
	_ =	swait.ge [sflag:s26], $0x2D00  }
0x22: {  	[sflag:s26] =	ssyncset.done $0x0  }
0x23: {  	s31 =	simm.s32 $0x1;
	s30 =	sadd.s32 $0x4E20, s20;
	[sflag:s26] =	ssyncadd.s32 $0xFFFFD300  }
0x24: {  	[hbm4b:s10+s2] =	stream.linear.scatter [tilespmem:s30], [sflag:$0x5], $0x2D00, $0x38;
	[tilespmem:$0x10220] =	vst v63  }
0x25: {  	s29 =	simm.s32 $0x2;
	s24 =	smov.u32 s10;
	_ =	swait.ge [sflag:s12], $0x2D00  }
0x26: {  	s23 =	simm.s32 $0xA0;
	s22 =	simm.s32 $0x27B0;
	[sflag:s12] =	ssyncset.done $0x0  }
0x27: {  	s20 =	sadd.s32 $0xA820, s20;
	s25 =	sand.u32 $0x1, s31;
	[sflag:s12] =	ssyncadd.s32 $0xFFFFD300  }
0x28: {  	[hbm4b:s11+s2] =	stream.linear.scatter [tilespmem:s20], [sflag:$0x5], $0x2D00, $0x38;
	[tilespmem:$0x10220] =	vst v63  }
0x29: {  	s21 =	smul.u32 $0x2D00, s25;
	s26 =	sxor.u32 $0x1, s25;
	_ =	swait.ge [sflag:s12], $0x2D00  }
0x2a: {  	s28 =	smul.u32 $0x2D00, s26;
	s20 =	sadd.s32 $0x5A0, s11;
	[sflag:s12] =	ssyncset.done $0x0  }
.LBB2_2:
0x2b: {  	[sflag:s12] =	ssyncadd.s32 $0xFFFFD300  }
0x2c: {  	s24 =	sadd.s32 $0x5A0, s24;
	s30 =	smov.u32 s29;
	s31 =	sadd.s32 $0x1, s29  }
0x2d: {  	p0 =	sne.s32 s29, $0x7B;
	s1 =	sadd.s32 $0x1, s26;
	s29 =	sadd.s32 $0x4E20, s28  }
0x2e: {  	[tilespmem:s29], [sflag:s1] =	stream.indirect.gather [hbm4b:s3+s16], $0x90, s23, s16, $0xb8;
	[tilespmem:$0x10220] =	vst v63  }
0x2f: {  	s26 =	sadd.s32 $0x3, s26;
	s1 =	sadd.s32 $0xA820, s28;
	s28 =	sadd.s32 $0x1, s25  }
0x30: {  	[tilespmem:s1], [sflag:s26] =	stream.indirect.gather [hbm4b:s4+s16], $0x90, s22, s16, $0xb8;
	[tilespmem:$0x10220] =	vst v63  }
0x31: {  	_ =	swait.ge [sflag:s28], $0x2D00  }
0x32: {  	[sflag:s28] =	ssyncset.done $0x0  }
0x33: {  	s1 =	sadd.s32 $0x3, s25;
	[sflag:s28] =	ssyncadd.s32 $0xFFFFD300  }
0x34: {  	_ =	swait.ge [sflag:s1], $0x2D00  }
0x35: {  	[sflag:s1] =	ssyncset.done $0x0  }
0x36: {  	[sflag:s1] =	ssyncadd.s32 $0xFFFFD300;
	s1 =	sadd.s32 $0x4E20, s21  }
0x37: {  	[hbm4b:s24+s2] =	stream.linear.scatter [tilespmem:s1], [sflag:$0x5], $0x2D00, $0x38;
	[tilespmem:$0x10220] =	vst v63  }
0x38: {  	s23 =	sadd.s32 $0x50, s23;
	s29 =	smov.u32 s31;
	_ =	swait.ge [sflag:s12], $0x2D00  }
.Ltmp0:
0x39: {  	s22 =	sadd.s32 $0x50, s22;
	[sflag:s12] =	ssyncset.done $0x0;
	(pc) =	sbr.rel @p0 .LBB2_2-.Ltmp0, $4  }
0x3a: {  	s25 =	sand.u32 $0x1, s30;
	s1 =	sadd.s32 $0xA820, s21;
	[sflag:s12] =	ssyncadd.s32 $0xFFFFD300  }
0x3b: {  	[hbm4b:s20+s2] =	stream.linear.scatter [tilespmem:s1], [sflag:$0x5], $0x2D00, $0x38;
	[tilespmem:$0x10220] =	vst v63  }
0x3c: {  	s26 =	sxor.u32 $0x1, s25;
	s21 =	smul.u32 $0x2D00, s25;
	_ =	swait.ge [sflag:s12], $0x2D00  }
0x3d: {  	s28 =	smul.u32 $0x2D00, s26;
	s20 =	sadd.s32 $0x5A0, s20;
	[sflag:s12] =	ssyncset.done $0x0  }
0x3e: {  	_ = 	snop  }
0x3f: {  	[sflag:s12] =	ssyncadd.s32 $0xFFFFD300;
	s29 =	sadd.s32 $0x1, s26;
	s1 =	sadd.s32 $0x4E20, s28  }
0x40: {  	[tilespmem:s1], [sflag:s29] =	stream.indirect.gather [hbm4b:s3+s16], $0x90, s23, s16, $0xb8;
	[tilespmem:$0x10220] =	vst v63  }
0x41: {  	s30 =	sadd.s32 $0x3, s26;
	s31 =	sadd.s32 $0x1, s25;
	s29 =	sadd.s32 $0xA820, s28  }
0x42: {  	[tilespmem:s29], [sflag:s30] =	stream.indirect.gather [hbm4b:s4+s16], $0x90, s22, s16, $0xb8;
	[tilespmem:$0x10220] =	vst v63  }
0x43: {  	_ =	swait.ge [sflag:s31], $0x2D00  }
0x44: {  	[sflag:s31] =	ssyncset.done $0x0  }
0x45: {  	s28 =	sadd.s32 $0x3, s25;
	[sflag:s31] =	ssyncadd.s32 $0xFFFFD300  }
0x46: {  	_ =	swait.ge [sflag:s28], $0x2D00  }
0x47: {  	[sflag:s28] =	ssyncset.done $0x0  }
0x48: {  	s29 =	sadd.s32 $0x5A0, s24;
	s30 =	sadd.s32 $0x4E20, s21;
	[sflag:s28] =	ssyncadd.s32 $0xFFFFD300  }
0x49: {  	[hbm4b:s29+s2] =	stream.linear.scatter [tilespmem:s30], [sflag:$0x5], $0x2D00, $0x38;
	[tilespmem:$0x10220] =	vst v63  }
0x4a: {  	_ =	swait.ge [sflag:s12], $0x2D00  }
0x4b: {  	[sflag:s12] =	ssyncset.done $0x0  }
0x4c: {  	s31 =	sadd.s32 $0xA820, s21;
	[sflag:s12] =	ssyncadd.s32 $0xFFFFD300  }
0x4d: {  	[hbm4b:s20+s2] =	stream.linear.scatter [tilespmem:s31], [sflag:$0x5], $0x2D00, $0x38;
	[tilespmem:$0x10220] =	vst v63  }
0x4e: {  	_ =	swait.ge [sflag:s12], $0x2D00  }
0x4f: {  	[sflag:s12] =	ssyncset.done $0x0  }
0x50: {  	[sflag:s12] =	ssyncadd.s32 $0xFFFFD300  }
0x51: {  	_ =	swait.ge [sflag:s17], $0x2D00  }
0x52: {  	[sflag:s17] =	ssyncset.done $0x0  }
0x53: {  	[sflag:s17] =	ssyncadd.s32 $0xFFFFD300  }
0x54: {  	_ =	swait.ge [sflag:s18], $0x2D00  }
0x55: {  	[sflag:s18] =	ssyncset.done $0x0  }
0x56: {  	[sflag:s18] =	ssyncadd.s32 $0xFFFFD300  }
0x57: {  	[hbm4b:s8+s2] =	stream.linear.scatter [tilespmem:s14], [sflag:$0x5], $0x2D00, $0x38;
	[tilespmem:$0x10220] =	vst v63  }
0x58: {  	s19 =	sadd.s32 $0x1, s19;
	_ =	swait.ge [sflag:s12], $0x2D00  }
0x59: {  	p0 =	sne.s32 s19, s7;
	[sflag:s12] =	ssyncset.done $0x0  }
.Ltmp1:
0x5a: {  	[sflag:s12] =	ssyncadd.s32 $0xFFFFD300;
	(pc) =	sbr.rel @p0 .LBB2_1-.Ltmp1, $4  }
0x5b: {  	[hbm4b:s9+s2] =	stream.linear.scatter [tilespmem:s15], [sflag:$0x5], $0x2D00, $0x38;
	[tilespmem:$0x10220] =	vst v63  }
0x5c: {  	_ =	swait.ge [sflag:s12], $0x2D00  }
0x5d: {  	[sflag:s12] =	ssyncset.done $0x0  }
0x5e: {  	[sflag:s12] =	ssyncadd.s32 $0xFFFFD300  }
0x5f: {  	_ =	sfence.sel $0x180000  }
0x60: {  	[bflag:$0x0] =	sbarrier.arrive $0xFFFF  }
0x61: {  	_ =	strace $0x90000047  }
0x62: {  	[bflag:$0x2] =	sbarrier.arrive $0xFFFF  }
0x63: {  	p0 =	sne.s32 s0, $0x0;
	s0 =	rddreg [dreg:$0x1]  }
0x64: {  	s0 =	sadd.s32 @!p0 $0x100000, s0  }
0x65: {  	[sflag:s0] =	ssyncadd.tile.s32 @!p0 $0x1;
	_ =	shalt  }
.Lfunc_end2:
_tile_overlayer_lowered:
.L_overlay_start_2:
0x66: {  	(tag) =	ssettag $0x2  }
0x67: {  	s0 =	rddreg [dreg:$0x0];
	s2 =	stileid.u32  }
0x68: {  	s1 =	rddreg [dreg:$0x1];
	p0 =	sne.s32 s2, $0x0  }
0x69: {  	s3 =	rddreg [dreg:$0x2];
	[bflag:$0x3] =	sbarrier.arrive $0xFFFF;
	s2 =	simm.s32 @!p0 $0x1C05  }
0x6a: {  	[timem:s3], [sflag:s2] =	dma.local @!p0 [hbm:s0], s1  }
0x6b: {  	s0 =	simm.s32 @!p0 $0x5  }
0x6c: {  	_ =	swait.ge @!p0 [sflag:s0], s1  }
0x6d: {  	s1 =	ssub.s32 @!p0 $0x0, s1;
	[sflag:s0] =	ssyncset.done @!p0 $0x0  }
0x6e: {  	[sflag:s0] =	ssyncadd.s32 @!p0 s1  }
0x6f: {  	[bflag:$0x3] =	sbarrier.arrive $0xFFFF  }
0x70: {  	_ =	shalt  }

</sc_bundles>
